<compile_context>
chip_gen: v7x
topology: tpu7x:2x2x1
jax: 0.10.2.dev20260603
libtpu: 0.0.44.dev20260713+nightly
codegen_flags: <defaults>
</compile_context>

<pallas_src>
import functools

import jax
import jax.numpy as jnp
from jax import lax
from jax.experimental import pallas as pl
from jax.experimental.pallas import tpu as pltpu
from jax.experimental.pallas import tpu_sc as plsc

N = 10000
E = 320000
D = 128
G = 64

NC = 2
NS = 16
NW = NC * NS

NPAD = 10240
RPT = NPAD // NS
KC = 256
NCH = 40
EPW = NCH * KC
NBUF = 4

_mesh = plsc.VectorSubcoreMesh(
    core_axis_name="c", subcore_axis_name="s", num_cores=NC, num_subcores=NS
)
_sc_params = pltpu.CompilerParams(use_tc_tiling_on_sc=False)
W1K = 16


@functools.partial(
    pl.kernel,
    out_type=jax.ShapeDtypeStruct((NC, NPAD, W1K), jnp.float32),
    mesh=_mesh,
    compiler_params=_sc_params,
    scratch_types=[
        pltpu.VMEM((NCH, KC), jnp.int32),
        pltpu.VMEM((KC, W1K), jnp.float32),
        pltpu.VMEM_SHARED((NPAD, W1K), jnp.float32),
        pltpu.SemaphoreType.DMA,
        pltpu.SemaphoreType.DMA,
    ],
)
def _k1_indeg(dst_w, ones_hbm, zeros_hbm, out,
              dsti, ones_v, acc, sem0, sem1):
    cid = lax.axis_index("c")
    sid = lax.axis_index("s")
    wid = cid * NS + sid
    sl = pl.ds(sid * RPT, RPT)
    sems = (sem0, sem1)

    pltpu.sync_copy(zeros_hbm.at[sl], acc.at[sl])
    pltpu.sync_copy(ones_hbm, ones_v)
    pltpu.sync_copy(dst_w.at[wid], dsti)
    plsc.subcore_barrier()

    def fire(b, c):
        pltpu.async_copy(ones_v, acc.at[dsti.at[c]], sems[b], add=True)

    def wait(b):
        pltpu.make_async_copy(ones_v, acc.at[dsti.at[0]], sems[b]).wait()

    for b in range(2):
        fire(b, b)

    def body(i, carry):
        for b in range(2):
            c = 2 * i + 2 + b
            wait(b)
            fire(b, c)
        return carry

    lax.fori_loop(0, (NCH - 2) // 2, body, 0)
    for b in range(2):
        wait(b)
    plsc.subcore_barrier()

    pltpu.sync_copy(acc.at[sl], out.at[cid, sl])


@functools.partial(
    pl.kernel,
    out_type=jax.ShapeDtypeStruct((NC, NPAD, G), jnp.float32),
    mesh=_mesh,
    compiler_params=_sc_params,
    scratch_types=[
        pltpu.VMEM((NCH, KC), jnp.int32),
        pltpu.VMEM((NCH, KC), jnp.int32),
        pltpu.VMEM((NBUF, KC, G), jnp.float32),
        pltpu.VMEM_SHARED((NPAD, G), jnp.float32),
    ]
    + [pltpu.SemaphoreType.DMA] * (2 * NBUF),
)
def _k2_edge_pass(src_w, dst_w, t_hbm, zeros_hbm, out,
                  sri, dsti, rows, acc, *sems):
    cid = lax.axis_index("c")
    sid = lax.axis_index("s")
    wid = cid * NS + sid
    sl = pl.ds(sid * RPT, RPT)
    gsem = sems[:NBUF]
    ssem = sems[NBUF:]

    pltpu.sync_copy(zeros_hbm.at[sl], acc.at[sl])
    pltpu.sync_copy(src_w.at[wid], sri)
    pltpu.sync_copy(dst_w.at[wid], dsti)
    plsc.subcore_barrier()

    def fire_gather(b, c):
        pltpu.async_copy(t_hbm.at[dsti.at[c]], rows.at[b], gsem[b])

    def wait_gather(b):
        pltpu.make_async_copy(t_hbm.at[dsti.at[0]], rows.at[b], gsem[b]).wait()

    def fire_scatter(b, c):
        pltpu.async_copy(rows.at[b], acc.at[sri.at[c]], ssem[b], add=True)

    def wait_scatter(b):
        pltpu.make_async_copy(rows.at[b], acc.at[sri.at[0]], ssem[b]).wait()

    for b in range(NBUF):
        fire_gather(b, b)

    def body(i, carry):
        for b in range(NBUF):
            c = i * NBUF + b
            wait_gather(b)
            fire_scatter(b, c)
        for b in range(NBUF):
            c = i * NBUF + b

            @pl.when(c + NBUF < NCH)
            def _():
                wait_scatter(b)
                fire_gather(b, c + NBUF)

        return carry

    lax.fori_loop(0, NCH // NBUF, body, 0)
    for b in range(NBUF):
        wait_scatter(b)
    plsc.subcore_barrier()

    pltpu.sync_copy(acc.at[sl], out.at[cid, sl])


def _k3_body(p2_ref, s2_ref, dinv_ref, deg_ref, x_ref,
             w1_ref, w2_ref, b1_ref, b2m_ref, desc_ref, o_ref):
    dinv = dinv_ref[...]
    s2 = s2_ref[...]
    t4 = (p2_ref[0] + p2_ref[1] + s2) * dinv
    m1 = s2 * deg_ref[...] * dinv
    cx = lax.dot_general(
        t4, x_ref[...], (((0,), (0,)), ((), ())),
        preferred_element_type=jnp.float32)
    q1 = jnp.sum(m1, axis=0).reshape(G, 1)
    p = jnp.dot(jnp.dot(cx, w1_ref[...], preferred_element_type=jnp.float32),
                w2_ref[...], preferred_element_type=jnp.float32)
    b1w2 = jnp.dot(b1_ref[...], w2_ref[...], preferred_element_type=jnp.float32)
    pooled = p + q1 * b1w2 + b2m_ref[...]
    o_ref[...] = jnp.concatenate([desc_ref[...], pooled], axis=1)


_k3_final = pl.pallas_call(
    _k3_body,
    out_shape=jax.ShapeDtypeStruct((G, 2 * D), jnp.float32),
)


@jax.jit
def _impl(x, edge_index, batch, descriptors, W1, b1, W2, b2):
    src_w = jnp.pad(edge_index[0].reshape(NW, E // NW),
                    ((0, 0), (0, EPW - E // NW)), constant_values=N)
    dst_w = jnp.pad(edge_index[1].reshape(NW, E // NW),
                    ((0, 0), (0, EPW - E // NW)), constant_values=N)
    src_r3 = src_w.reshape(NW, NCH, KC)
    dst_r3 = dst_w.reshape(NW, NCH, KC)
    del src_w, dst_w

    ones_kc = jnp.ones((KC, W1K), jnp.float32)
    zeros_k1 = jnp.zeros((NPAD, W1K), jnp.float32)
    zeros_nd = jnp.zeros((NPAD, G), jnp.float32)

    ip = _k1_indeg(dst_r3, ones_kc, zeros_k1)
    indeg = ip[0, :N, 0] + ip[1, :N, 0]
    deg = indeg + 1.0
    dinv = lax.rsqrt(deg)

    bounds = jnp.searchsorted(batch, jnp.arange(G + 1, dtype=jnp.int32))
    cnt = (bounds[1:] - bounds[:-1]).astype(jnp.float32)
    cnt_safe = jnp.maximum(cnt, 1.0)

    t0 = jnp.where(batch[:, None] == jnp.arange(G, dtype=batch.dtype)[None, :],
                   (dinv / cnt_safe[batch])[:, None], 0.0)
    t0 = jnp.pad(t0, ((0, NPAD - N), (0, 0)))
    dinv_p = jnp.pad(dinv, (0, NPAD - N), constant_values=1.0)
    deg_p = jnp.pad(deg, (0, NPAD - N), constant_values=1.0)

    p1 = _k2_edge_pass(src_r3, dst_r3, t0, zeros_nd)
    s2 = (p1[0] + p1[1] + t0) / deg_p[:, None]

    p2 = _k2_edge_pass(src_r3, dst_r3, s2, zeros_nd)

    x_pad = jnp.pad(x, ((0, NPAD - N), (0, 0)))
    b2m = (cnt > 0).astype(jnp.float32)[:, None] * b2[None, :]
    return _k3_final(p2, s2, dinv_p.reshape(NPAD, 1), deg_p.reshape(NPAD, 1),
                     x_pad, W1, W2, b1.reshape(1, D), b2m, descriptors)


def kernel(x, edge_index, batch, descriptors, W1, b1, W2, b2):
    return _impl(x, edge_index, batch, descriptors, W1, b1, W2, b2)

# --- scband reference (transcript-rebuilt; emitter-appended) ---
"""Pipeline reference for scband-gcnneck-24962349924890 (READ-ONLY COPY).

The authoritative reference and input builder live on the scoring server;
editing this copy changes nothing except your own understanding.
"""

import jax, jax.numpy as jnp
import numpy as np

N = 10000
E = 320000
D = 128
G = 64


def setup_inputs(seed: int = 0) -> dict:
    key = jax.random.key(seed)
    k1, k2, k3, k4, k5, k6 = jax.random.split(key, 6)
    x = jax.random.normal(k1, (N, D), dtype=jnp.float32)
    edge_index = jax.random.randint(k2, (2, E), 0, N, dtype=jnp.int32)
    batch = jnp.sort(jax.random.randint(k3, (N,), 0, G, dtype=jnp.int32))
    descriptors = jax.random.normal(k4, (G, D), dtype=jnp.float32)
    W1 = jax.random.normal(k5, (D, D), dtype=jnp.float32) * 0.05
    b1 = jnp.zeros((D,), dtype=jnp.float32)
    W2 = jax.random.normal(k6, (D, D), dtype=jnp.float32) * 0.05
    b2 = jnp.zeros((D,), dtype=jnp.float32)
    return {"x": x, "edge_index": edge_index, "batch": batch,
            "descriptors": descriptors, "W1": W1, "b1": b1, "W2": W2, "b2": b2}


def _gcn_conv(x, W, b, src, dst, n_nodes):
    # GCNConv with added self-loops and symmetric normalization (PyG semantics)
    loop = jnp.arange(n_nodes, dtype=src.dtype)
    src2 = jnp.concatenate([src, loop])
    dst2 = jnp.concatenate([dst, loop])
    ones = jnp.ones_like(dst2, dtype=x.dtype)
    deg = jax.ops.segment_sum(ones, dst2, num_segments=n_nodes)
    dinv = jnp.where(deg > 0, jax.lax.rsqrt(jnp.maximum(deg, 1e-12)), 0.0)
    xw = x @ W
    norm = dinv[src2] * dinv[dst2]
    msgs = xw[src2] * norm[:, None]
    out = jax.ops.segment_sum(msgs, dst2, num_segments=n_nodes)
    return out + b


def reference(x, edge_index, batch, descriptors, W1, b1, W2, b2):
    src = edge_index[0]
    dst = edge_index[1]
    h = _gcn_conv(x, W1, b1, src, dst, N)
    h = _gcn_conv(h, W2, b2, src, dst, N)
    # global mean pool over graphs
    counts = jax.ops.segment_sum(jnp.ones((N,), dtype=h.dtype), batch, num_segments=G)
    sums = jax.ops.segment_sum(h, batch, num_segments=G)
    pooled = sums / jnp.maximum(counts, 1.0)[:, None]
    # GCNNeck: concat original descriptors with gcn output
    return jnp.concatenate([descriptors, pooled], axis=1)

if __name__ == "__main__":
    import jax
    _d = setup_inputs()
    print(jax.jit(kernel)(*tuple(_d.values())))

</pallas_src>

<mosaic_0001>
#map = affine_map<(d0, d1) -> (0, 0, 0)>
#map1 = affine_map<(d0, d1) -> (0, 0)>
module attributes {stable_mosaic.version = 14 : i64} {
  func.func @_k2_edge_pass(%arg0: i32, %arg1: i32, %arg2: memref<32x40x256xi32, #tpu.memory_space<hbm>>, %arg3: memref<32x40x256xi32, #tpu.memory_space<hbm>>, %arg4: memref<10240x64xf32, #tpu.memory_space<hbm>>, %arg5: memref<10240x64xf32, #tpu.memory_space<hbm>>, %arg6: memref<2x10240x64xf32, #tpu.memory_space<hbm>>, %arg7: memref<40x256xi32, #tpu.memory_space<vmem>>, %arg8: memref<40x256xi32, #tpu.memory_space<vmem>>, %arg9: memref<4x256x64xf32, #tpu.memory_space<vmem>>, %arg10: memref<10240x64xf32, #tpu.memory_space<vmem_shared>>, %arg11: memref<!tpu.dma_semaphore, #tpu.memory_space<semaphore_mem>>, %arg12: memref<!tpu.dma_semaphore, #tpu.memory_space<semaphore_mem>>, %arg13: memref<!tpu.dma_semaphore, #tpu.memory_space<semaphore_mem>>, %arg14: memref<!tpu.dma_semaphore, #tpu.memory_space<semaphore_mem>>, %arg15: memref<!tpu.dma_semaphore, #tpu.memory_space<semaphore_mem>>, %arg16: memref<!tpu.dma_semaphore, #tpu.memory_space<semaphore_mem>>, %arg17: memref<!tpu.dma_semaphore, #tpu.memory_space<semaphore_mem>>, %arg18: memref<!tpu.dma_semaphore, #tpu.memory_space<semaphore_mem>>) attributes {dimension_semantics = [#tpu.dimension_semantics<core_parallel>, #tpu.dimension_semantics<subcore_parallel>], iteration_bounds = array<i64: 2, 16>, scalar_prefetch = 0 : i64, scratch_operands = 12 : i64, tpu.core_type = #tpu.core_type<sc_vector_subcore>, window_params = [{transform_indices = #map}, {transform_indices = #map}, {transform_indices = #map1}, {transform_indices = #map1}, {transform_indices = #map}]} {
    %mul3A = arith.constant 16 : i32
    %mul3A_0 = arith.muli %arg0, %mul3A : i32
    %add3A = arith.addi %mul3A_0, %arg1 : i32
    %mul3A_1 = arith.constant 640 : i32
    %mul3A_2 = arith.muli %arg1, %mul3A_1 : i32
    "tpu.region"() ({
      %run_scoped3A = tpu.sem_alloc : memref<!tpu.dma_semaphore, #tpu.memory_space<semaphore_mem>>
      %dma_start3A_103 = arith.constant 0 : i32
      %dma_start3A_104 = tpu.memref_slice %arg10[%mul3A_2, %dma_start3A_103] : memref<10240x64xf32, #tpu.memory_space<vmem_shared>> -> memref<640x64xf32, #tpu.memory_space<vmem_shared>>
      %dma_start3A_105 = arith.constant 0 : i32
      %dma_start3A_106 = tpu.memref_slice %arg5[%mul3A_2, %dma_start3A_105] : memref<10240x64xf32, #tpu.memory_space<hbm>> -> memref<640x64xf32, #tpu.memory_space<hbm>>
      tpu.enqueue_dma source(%dma_start3A_106 : memref<640x64xf32, #tpu.memory_space<hbm>>) target(%dma_start3A_104 : memref<640x64xf32, #tpu.memory_space<vmem_shared>>) target_semaphore(%run_scoped3A : memref<!tpu.dma_semaphore, #tpu.memory_space<semaphore_mem>>)
      %dma_wait3A_107 = arith.constant 0 : i32
      %dma_wait3A_108 = tpu.memref_slice %arg10[%mul3A_2, %dma_wait3A_107] : memref<10240x64xf32, #tpu.memory_space<vmem_shared>> -> memref<640x64xf32, #tpu.memory_space<vmem_shared>>
      %dma_wait3A_109 = arith.constant 0 : i32
      %dma_wait3A_110 = tpu.memref_slice %arg5[%mul3A_2, %dma_wait3A_109] : memref<10240x64xf32, #tpu.memory_space<hbm>> -> memref<640x64xf32, #tpu.memory_space<hbm>>
      tpu.wait_dma2 semaphore(%run_scoped3A : memref<!tpu.dma_semaphore, #tpu.memory_space<semaphore_mem>>) src(%dma_wait3A_110 : memref<640x64xf32, #tpu.memory_space<hbm>>) dst(%dma_wait3A_108 : memref<640x64xf32, #tpu.memory_space<vmem_shared>>)
      tpu.yield
    }) : () -> ()
    "tpu.region"() ({
      %run_scoped3A = tpu.sem_alloc : memref<!tpu.dma_semaphore, #tpu.memory_space<semaphore_mem>>
      %dma_start3A_103 = arith.constant 0 : i32
      %dma_start3A_104 = arith.constant 0 : i32
      %dma_start3A_105 = tpu.memref_slice %arg2[%add3A, %dma_start3A_103, %dma_start3A_104] : memref<32x40x256xi32, #tpu.memory_space<hbm>> -> memref<1x40x256xi32, #tpu.memory_space<hbm>>
      %dma_start3A_106 = tpu.memref_squeeze %dma_start3A_105 : memref<1x40x256xi32, #tpu.memory_space<hbm>> -> memref<40x256xi32, #tpu.memory_space<hbm>>
      %dma_start3A_107 = arith.constant 0 : i32
      %dma_start3A_108 = arith.constant 0 : i32
      %dma_start3A_109 = tpu.memref_slice %arg2[%add3A, %dma_start3A_107, %dma_start3A_108] : memref<32x40x256xi32, #tpu.memory_space<hbm>> -> memref<1x40x256xi32, #tpu.memory_space<hbm>>
      %dma_start3A_110 = tpu.memref_squeeze %dma_start3A_109 : memref<1x40x256xi32, #tpu.memory_space<hbm>> -> memref<40x256xi32, #tpu.memory_space<hbm>>
      tpu.enqueue_dma source(%dma_start3A_110 : memref<40x256xi32, #tpu.memory_space<hbm>>) target(%arg7 : memref<40x256xi32, #tpu.memory_space<vmem>>) target_semaphore(%run_scoped3A : memref<!tpu.dma_semaphore, #tpu.memory_space<semaphore_mem>>)
      %dma_wait3A_111 = arith.constant 0 : i32
      %dma_wait3A_112 = arith.constant 0 : i32
      %dma_wait3A_113 = tpu.memref_slice %arg2[%add3A, %dma_wait3A_111, %dma_wait3A_112] : memref<32x40x256xi32, #tpu.memory_space<hbm>> -> memref<1x40x256xi32, #tpu.memory_space<hbm>>
      %dma_wait3A_114 = tpu.memref_squeeze %dma_wait3A_113 : memref<1x40x256xi32, #tpu.memory_space<hbm>> -> memref<40x256xi32, #tpu.memory_space<hbm>>
      %dma_wait3A_115 = arith.constant 0 : i32
      %dma_wait3A_116 = arith.constant 0 : i32
      %dma_wait3A_117 = tpu.memref_slice %arg2[%add3A, %dma_wait3A_115, %dma_wait3A_116] : memref<32x40x256xi32, #tpu.memory_space<hbm>> -> memref<1x40x256xi32, #tpu.memory_space<hbm>>
      %dma_wait3A_118 = tpu.memref_squeeze %dma_wait3A_117 : memref<1x40x256xi32, #tpu.memory_space<hbm>> -> memref<40x256xi32, #tpu.memory_space<hbm>>
      tpu.wait_dma2 semaphore(%run_scoped3A : memref<!tpu.dma_semaphore, #tpu.memory_space<semaphore_mem>>) src(%dma_wait3A_118 : memref<40x256xi32, #tpu.memory_space<hbm>>) dst(%arg7 : memref<40x256xi32, #tpu.memory_space<vmem>>)
      tpu.yield
    }) : () -> ()
    "tpu.region"() ({
      %run_scoped3A = tpu.sem_alloc : memref<!tpu.dma_semaphore, #tpu.memory_space<semaphore_mem>>
      %dma_start3A_103 = arith.constant 0 : i32
      %dma_start3A_104 = arith.constant 0 : i32
      %dma_start3A_105 = tpu.memref_slice %arg3[%add3A, %dma_start3A_103, %dma_start3A_104] : memref<32x40x256xi32, #tpu.memory_space<hbm>> -> memref<1x40x256xi32, #tpu.memory_space<hbm>>
      %dma_start3A_106 = tpu.memref_squeeze %dma_start3A_105 : memref<1x40x256xi32, #tpu.memory_space<hbm>> -> memref<40x256xi32, #tpu.memory_space<hbm>>
      %dma_start3A_107 = arith.constant 0 : i32
      %dma_start3A_108 = arith.constant 0 : i32
      %dma_start3A_109 = tpu.memref_slice %arg3[%add3A, %dma_start3A_107, %dma_start3A_108] : memref<32x40x256xi32, #tpu.memory_space<hbm>> -> memref<1x40x256xi32, #tpu.memory_space<hbm>>
      %dma_start3A_110 = tpu.memref_squeeze %dma_start3A_109 : memref<1x40x256xi32, #tpu.memory_space<hbm>> -> memref<40x256xi32, #tpu.memory_space<hbm>>
      tpu.enqueue_dma source(%dma_start3A_110 : memref<40x256xi32, #tpu.memory_space<hbm>>) target(%arg8 : memref<40x256xi32, #tpu.memory_space<vmem>>) target_semaphore(%run_scoped3A : memref<!tpu.dma_semaphore, #tpu.memory_space<semaphore_mem>>)
      %dma_wait3A_111 = arith.constant 0 : i32
      %dma_wait3A_112 = arith.constant 0 : i32
      %dma_wait3A_113 = tpu.memref_slice %arg3[%add3A, %dma_wait3A_111, %dma_wait3A_112] : memref<32x40x256xi32, #tpu.memory_space<hbm>> -> memref<1x40x256xi32, #tpu.memory_space<hbm>>
      %dma_wait3A_114 = tpu.memref_squeeze %dma_wait3A_113 : memref<1x40x256xi32, #tpu.memory_space<hbm>> -> memref<40x256xi32, #tpu.memory_space<hbm>>
      %dma_wait3A_115 = arith.constant 0 : i32
      %dma_wait3A_116 = arith.constant 0 : i32
      %dma_wait3A_117 = tpu.memref_slice %arg3[%add3A, %dma_wait3A_115, %dma_wait3A_116] : memref<32x40x256xi32, #tpu.memory_space<hbm>> -> memref<1x40x256xi32, #tpu.memory_space<hbm>>
      %dma_wait3A_118 = tpu.memref_squeeze %dma_wait3A_117 : memref<1x40x256xi32, #tpu.memory_space<hbm>> -> memref<40x256xi32, #tpu.memory_space<hbm>>
      tpu.wait_dma2 semaphore(%run_scoped3A : memref<!tpu.dma_semaphore, #tpu.memory_space<semaphore_mem>>) src(%dma_wait3A_118 : memref<40x256xi32, #tpu.memory_space<hbm>>) dst(%arg8 : memref<40x256xi32, #tpu.memory_space<vmem>>)
      tpu.yield
    }) : () -> ()
    %barrier3A = arith.constant 0 : index
    tpu.barrier barrier_id(%barrier3A)
    %dma_start3A = arith.constant 0 : i32
    %dma_start3A_3 = arith.constant 0 : i32
    %dma_start3A_4 = arith.constant 0 : i32
    %dma_start3A_5 = arith.constant 0 : i32
    %dma_start3A_6 = tpu.memref_slice %arg9[%dma_start3A_3, %dma_start3A_4, %dma_start3A_5] : memref<4x256x64xf32, #tpu.memory_space<vmem>> -> memref<1x256x64xf32, #tpu.memory_space<vmem>>
    %dma_start3A_7 = tpu.memref_squeeze %dma_start3A_6 : memref<1x256x64xf32, #tpu.memory_space<vmem>> -> memref<256x64xf32, #tpu.memory_space<vmem>>
    %dma_start3A_8 = arith.constant 0 : i32
    %dma_start3A_9 = tpu.memref_slice %arg8[%dma_start3A, %dma_start3A_8] : memref<40x256xi32, #tpu.memory_space<vmem>> -> memref<1x256xi32, #tpu.memory_space<vmem>>
    %dma_start3A_10 = tpu.memref_squeeze %dma_start3A_9 : memref<1x256xi32, #tpu.memory_space<vmem>> -> memref<256xi32, #tpu.memory_space<vmem>>
    %dma_start3A_11 = arith.constant 0 : i32
    %dma_start3A_12 = arith.constant 0 : i32
    %dma_start3A_13 = tpu.memref_slice %arg4[%dma_start3A_11, %dma_start3A_12] : memref<10240x64xf32, #tpu.memory_space<hbm>> -> memref<10240x64xf32, #tpu.memory_space<hbm>>
    tpu.enqueue_indirect_dma source(%dma_start3A_13 : memref<10240x64xf32, #tpu.memory_space<hbm>>) target(%dma_start3A_7 : memref<256x64xf32, #tpu.memory_space<vmem>>) offsets(%dma_start3A_10 : memref<256xi32, #tpu.memory_space<vmem>>) semaphore(%arg11 : memref<!tpu.dma_semaphore, #tpu.memory_space<semaphore_mem>>)
    %dma_start3A_14 = arith.constant 1 : i32
    %dma_start3A_15 = arith.constant 1 : i32
    %dma_start3A_16 = arith.constant 0 : i32
    %dma_start3A_17 = arith.constant 0 : i32
    %dma_start3A_18 = tpu.memref_slice %arg9[%dma_start3A_15, %dma_start3A_16, %dma_start3A_17] : memref<4x256x64xf32, #tpu.memory_space<vmem>> -> memref<1x256x64xf32, #tpu.memory_space<vmem>>
    %dma_start3A_19 = tpu.memref_squeeze %dma_start3A_18 : memref<1x256x64xf32, #tpu.memory_space<vmem>> -> memref<256x64xf32, #tpu.memory_space<vmem>>
    %dma_start3A_20 = arith.constant 0 : i32
    %dma_start3A_21 = tpu.memref_slice %arg8[%dma_start3A_14, %dma_start3A_20] : memref<40x256xi32, #tpu.memory_space<vmem>> -> memref<1x256xi32, #tpu.memory_space<vmem>>
    %dma_start3A_22 = tpu.memref_squeeze %dma_start3A_21 : memref<1x256xi32, #tpu.memory_space<vmem>> -> memref<256xi32, #tpu.memory_space<vmem>>
    %dma_start3A_23 = arith.constant 0 : i32
    %dma_start3A_24 = arith.constant 0 : i32
    %dma_start3A_25 = tpu.memref_slice %arg4[%dma_start3A_23, %dma_start3A_24] : memref<10240x64xf32, #tpu.memory_space<hbm>> -> memref<10240x64xf32, #tpu.memory_space<hbm>>
    tpu.enqueue_indirect_dma source(%dma_start3A_25 : memref<10240x64xf32, #tpu.memory_space<hbm>>) target(%dma_start3A_19 : memref<256x64xf32, #tpu.memory_space<vmem>>) offsets(%dma_start3A_22 : memref<256xi32, #tpu.memory_space<vmem>>) semaphore(%arg12 : memref<!tpu.dma_semaphore, #tpu.memory_space<semaphore_mem>>)
    %dma_start3A_26 = arith.constant 2 : i32
    %dma_start3A_27 = arith.constant 2 : i32
    %dma_start3A_28 = arith.constant 0 : i32
    %dma_start3A_29 = arith.constant 0 : i32
    %dma_start3A_30 = tpu.memref_slice %arg9[%dma_start3A_27, %dma_start3A_28, %dma_start3A_29] : memref<4x256x64xf32, #tpu.memory_space<vmem>> -> memref<1x256x64xf32, #tpu.memory_space<vmem>>
    %dma_start3A_31 = tpu.memref_squeeze %dma_start3A_30 : memref<1x256x64xf32, #tpu.memory_space<vmem>> -> memref<256x64xf32, #tpu.memory_space<vmem>>
    %dma_start3A_32 = arith.constant 0 : i32
    %dma_start3A_33 = tpu.memref_slice %arg8[%dma_start3A_26, %dma_start3A_32] : memref<40x256xi32, #tpu.memory_space<vmem>> -> memref<1x256xi32, #tpu.memory_space<vmem>>
    %dma_start3A_34 = tpu.memref_squeeze %dma_start3A_33 : memref<1x256xi32, #tpu.memory_space<vmem>> -> memref<256xi32, #tpu.memory_space<vmem>>
    %dma_start3A_35 = arith.constant 0 : i32
    %dma_start3A_36 = arith.constant 0 : i32
    %dma_start3A_37 = tpu.memref_slice %arg4[%dma_start3A_35, %dma_start3A_36] : memref<10240x64xf32, #tpu.memory_space<hbm>> -> memref<10240x64xf32, #tpu.memory_space<hbm>>
    tpu.enqueue_indirect_dma source(%dma_start3A_37 : memref<10240x64xf32, #tpu.memory_space<hbm>>) target(%dma_start3A_31 : memref<256x64xf32, #tpu.memory_space<vmem>>) offsets(%dma_start3A_34 : memref<256xi32, #tpu.memory_space<vmem>>) semaphore(%arg13 : memref<!tpu.dma_semaphore, #tpu.memory_space<semaphore_mem>>)
    %dma_start3A_38 = arith.constant 3 : i32
    %dma_start3A_39 = arith.constant 3 : i32
    %dma_start3A_40 = arith.constant 0 : i32
    %dma_start3A_41 = arith.constant 0 : i32
    %dma_start3A_42 = tpu.memref_slice %arg9[%dma_start3A_39, %dma_start3A_40, %dma_start3A_41] : memref<4x256x64xf32, #tpu.memory_space<vmem>> -> memref<1x256x64xf32, #tpu.memory_space<vmem>>
    %dma_start3A_43 = tpu.memref_squeeze %dma_start3A_42 : memref<1x256x64xf32, #tpu.memory_space<vmem>> -> memref<256x64xf32, #tpu.memory_space<vmem>>
    %dma_start3A_44 = arith.constant 0 : i32
    %dma_start3A_45 = tpu.memref_slice %arg8[%dma_start3A_38, %dma_start3A_44] : memref<40x256xi32, #tpu.memory_space<vmem>> -> memref<1x256xi32, #tpu.memory_space<vmem>>
    %dma_start3A_46 = tpu.memref_squeeze %dma_start3A_45 : memref<1x256xi32, #tpu.memory_space<vmem>> -> memref<256xi32, #tpu.memory_space<vmem>>
    %dma_start3A_47 = arith.constant 0 : i32
    %dma_start3A_48 = arith.constant 0 : i32
    %dma_start3A_49 = tpu.memref_slice %arg4[%dma_start3A_47, %dma_start3A_48] : memref<10240x64xf32, #tpu.memory_space<hbm>> -> memref<10240x64xf32, #tpu.memory_space<hbm>>
    tpu.enqueue_indirect_dma source(%dma_start3A_49 : memref<10240x64xf32, #tpu.memory_space<hbm>>) target(%dma_start3A_43 : memref<256x64xf32, #tpu.memory_space<vmem>>) offsets(%dma_start3A_46 : memref<256xi32, #tpu.memory_space<vmem>>) semaphore(%arg14 : memref<!tpu.dma_semaphore, #tpu.memory_space<semaphore_mem>>)
    %scan3A = arith.constant 0 : i32
    %scan3A_50 = arith.constant 0 : i32
    %scan3A_51 = arith.constant 10 : i32
    %scan3A_52 = arith.addi %scan3A_50, %scan3A_51 : i32
    %scan3A_53 = arith.constant 1 : i32
    scf.for %scan3A_103 = %scan3A_50 to %scan3A_52 step %scan3A_53  : i32 {
      %mul3A_104 = arith.constant 4 : i32
      %mul3A_105 = arith.muli %scan3A_103, %mul3A_104 : i32
      %add3A_106 = arith.constant 0 : i32
      %add3A_107 = arith.addi %mul3A_105, %add3A_106 : i32
      %dma_wait3A_108 = arith.constant 0 : i32
      %dma_wait3A_109 = arith.constant 0 : i32
      %dma_wait3A_110 = arith.constant 0 : i32
      %dma_wait3A_111 = arith.constant 0 : i32
      %dma_wait3A_112 = tpu.memref_slice %arg9[%dma_wait3A_109, %dma_wait3A_110, %dma_wait3A_111] : memref<4x256x64xf32, #tpu.memory_space<vmem>> -> memref<1x256x64xf32, #tpu.memory_space<vmem>>
      %dma_wait3A_113 = tpu.memref_squeeze %dma_wait3A_112 : memref<1x256x64xf32, #tpu.memory_space<vmem>> -> memref<256x64xf32, #tpu.memory_space<vmem>>
      %dma_wait3A_114 = arith.constant 0 : i32
      %dma_wait3A_115 = tpu.memref_slice %arg8[%dma_wait3A_108, %dma_wait3A_114] : memref<40x256xi32, #tpu.memory_space<vmem>> -> memref<1x256xi32, #tpu.memory_space<vmem>>
      %dma_wait3A_116 = tpu.memref_squeeze %dma_wait3A_115 : memref<1x256xi32, #tpu.memory_space<vmem>> -> memref<256xi32, #tpu.memory_space<vmem>>
      %dma_wait3A_117 = arith.constant 0 : i32
      %dma_wait3A_118 = arith.constant 0 : i32
      %dma_wait3A_119 = tpu.memref_slice %arg4[%dma_wait3A_117, %dma_wait3A_118] : memref<10240x64xf32, #tpu.memory_space<hbm>> -> memref<10240x64xf32, #tpu.memory_space<hbm>>
      tpu.wait_indirect_dma semaphore(%arg11 : memref<!tpu.dma_semaphore, #tpu.memory_space<semaphore_mem>>) src(%dma_wait3A_119 : memref<10240x64xf32, #tpu.memory_space<hbm>>) dst(%dma_wait3A_113 : memref<256x64xf32, #tpu.memory_space<vmem>>)
      %dma_start3A_120 = arith.constant 0 : i32
      %dma_start3A_121 = arith.constant 0 : i32
      %dma_start3A_122 = arith.constant 0 : i32
      %dma_start3A_123 = tpu.memref_slice %arg9[%dma_start3A_120, %dma_start3A_121, %dma_start3A_122] : memref<4x256x64xf32, #tpu.memory_space<vmem>> -> memref<1x256x64xf32, #tpu.memory_space<vmem>>
      %dma_start3A_124 = tpu.memref_squeeze %dma_start3A_123 : memref<1x256x64xf32, #tpu.memory_space<vmem>> -> memref<256x64xf32, #tpu.memory_space<vmem>>
      %dma_start3A_125 = arith.constant 0 : i32
      %dma_start3A_126 = tpu.memref_slice %arg7[%add3A_107, %dma_start3A_125] : memref<40x256xi32, #tpu.memory_space<vmem>> -> memref<1x256xi32, #tpu.memory_space<vmem>>
      %dma_start3A_127 = tpu.memref_squeeze %dma_start3A_126 : memref<1x256xi32, #tpu.memory_space<vmem>> -> memref<256xi32, #tpu.memory_space<vmem>>
      %dma_start3A_128 = arith.constant 0 : i32
      %dma_start3A_129 = arith.constant 0 : i32
      %dma_start3A_130 = tpu.memref_slice %arg10[%dma_start3A_128, %dma_start3A_129] : memref<10240x64xf32, #tpu.memory_space<vmem_shared>> -> memref<10240x64xf32, #tpu.memory_space<vmem_shared>>
      tpu.enqueue_indirect_dma source(%dma_start3A_124 : memref<256x64xf32, #tpu.memory_space<vmem>>) target(%dma_start3A_130 : memref<10240x64xf32, #tpu.memory_space<vmem_shared>>) offsets(%dma_start3A_127 : memref<256xi32, #tpu.memory_space<vmem>>) semaphore(%arg15 : memref<!tpu.dma_semaphore, #tpu.memory_space<semaphore_mem>>) {add = true}
      %mul3A_131 = arith.constant 4 : i32
      %mul3A_132 = arith.muli %scan3A_103, %mul3A_131 : i32
      %add3A_133 = arith.constant 1 : i32
      %add3A_134 = arith.addi %mul3A_132, %add3A_133 : i32
      %dma_wait3A_135 = arith.constant 0 : i32
      %dma_wait3A_136 = arith.constant 1 : i32
      %dma_wait3A_137 = arith.constant 0 : i32
      %dma_wait3A_138 = arith.constant 0 : i32
      %dma_wait3A_139 = tpu.memref_slice %arg9[%dma_wait3A_136, %dma_wait3A_137, %dma_wait3A_138] : memref<4x256x64xf32, #tpu.memory_space<vmem>> -> memref<1x256x64xf32, #tpu.memory_space<vmem>>
      %dma_wait3A_140 = tpu.memref_squeeze %dma_wait3A_139 : memref<1x256x64xf32, #tpu.memory_space<vmem>> -> memref<256x64xf32, #tpu.memory_space<vmem>>
      %dma_wait3A_141 = arith.constant 0 : i32
      %dma_wait3A_142 = tpu.memref_slice %arg8[%dma_wait3A_135, %dma_wait3A_141] : memref<40x256xi32, #tpu.memory_space<vmem>> -> memref<1x256xi32, #tpu.memory_space<vmem>>
      %dma_wait3A_143 = tpu.memref_squeeze %dma_wait3A_142 : memref<1x256xi32, #tpu.memory_space<vmem>> -> memref<256xi32, #tpu.memory_space<vmem>>
      %dma_wait3A_144 = arith.constant 0 : i32
      %dma_wait3A_145 = arith.constant 0 : i32
      %dma_wait3A_146 = tpu.memref_slice %arg4[%dma_wait3A_144, %dma_wait3A_145] : memref<10240x64xf32, #tpu.memory_space<hbm>> -> memref<10240x64xf32, #tpu.memory_space<hbm>>
      tpu.wait_indirect_dma semaphore(%arg12 : memref<!tpu.dma_semaphore, #tpu.memory_space<semaphore_mem>>) src(%dma_wait3A_146 : memref<10240x64xf32, #tpu.memory_space<hbm>>) dst(%dma_wait3A_140 : memref<256x64xf32, #tpu.memory_space<vmem>>)
      %dma_start3A_147 = arith.constant 1 : i32
      %dma_start3A_148 = arith.constant 0 : i32
      %dma_start3A_149 = arith.constant 0 : i32
      %dma_start3A_150 = tpu.memref_slice %arg9[%dma_start3A_147, %dma_start3A_148, %dma_start3A_149] : memref<4x256x64xf32, #tpu.memory_space<vmem>> -> memref<1x256x64xf32, #tpu.memory_space<vmem>>
      %dma_start3A_151 = tpu.memref_squeeze %dma_start3A_150 : memref<1x256x64xf32, #tpu.memory_space<vmem>> -> memref<256x64xf32, #tpu.memory_space<vmem>>
      %dma_start3A_152 = arith.constant 0 : i32
      %dma_start3A_153 = tpu.memref_slice %arg7[%add3A_134, %dma_start3A_152] : memref<40x256xi32, #tpu.memory_space<vmem>> -> memref<1x256xi32, #tpu.memory_space<vmem>>
      %dma_start3A_154 = tpu.memref_squeeze %dma_start3A_153 : memref<1x256xi32, #tpu.memory_space<vmem>> -> memref<256xi32, #tpu.memory_space<vmem>>
      %dma_start3A_155 = arith.constant 0 : i32
      %dma_start3A_156 = arith.constant 0 : i32
      %dma_start3A_157 = tpu.memref_slice %arg10[%dma_start3A_155, %dma_start3A_156] : memref<10240x64xf32, #tpu.memory_space<vmem_shared>> -> memref<10240x64xf32, #tpu.memory_space<vmem_shared>>
      tpu.enqueue_indirect_dma source(%dma_start3A_151 : memref<256x64xf32, #tpu.memory_space<vmem>>) target(%dma_start3A_157 : memref<10240x64xf32, #tpu.memory_space<vmem_shared>>) offsets(%dma_start3A_154 : memref<256xi32, #tpu.memory_space<vmem>>) semaphore(%arg16 : memref<!tpu.dma_semaphore, #tpu.memory_space<semaphore_mem>>) {add = true}
      %mul3A_158 = arith.constant 4 : i32
      %mul3A_159 = arith.muli %scan3A_103, %mul3A_158 : i32
      %add3A_160 = arith.constant 2 : i32
      %add3A_161 = arith.addi %mul3A_159, %add3A_160 : i32
      %dma_wait3A_162 = arith.constant 0 : i32
      %dma_wait3A_163 = arith.constant 2 : i32
      %dma_wait3A_164 = arith.constant 0 : i32
      %dma_wait3A_165 = arith.constant 0 : i32
      %dma_wait3A_166 = tpu.memref_slice %arg9[%dma_wait3A_163, %dma_wait3A_164, %dma_wait3A_165] : memref<4x256x64xf32, #tpu.memory_space<vmem>> -> memref<1x256x64xf32, #tpu.memory_space<vmem>>
      %dma_wait3A_167 = tpu.memref_squeeze %dma_wait3A_166 : memref<1x256x64xf32, #tpu.memory_space<vmem>> -> memref<256x64xf32, #tpu.memory_space<vmem>>
      %dma_wait3A_168 = arith.constant 0 : i32
      %dma_wait3A_169 = tpu.memref_slice %arg8[%dma_wait3A_162, %dma_wait3A_168] : memref<40x256xi32, #tpu.memory_space<vmem>> -> memref<1x256xi32, #tpu.memory_space<vmem>>
      %dma_wait3A_170 = tpu.memref_squeeze %dma_wait3A_169 : memref<1x256xi32, #tpu.memory_space<vmem>> -> memref<256xi32, #tpu.memory_space<vmem>>
      %dma_wait3A_171 = arith.constant 0 : i32
      %dma_wait3A_172 = arith.constant 0 : i32
      %dma_wait3A_173 = tpu.memref_slice %arg4[%dma_wait3A_171, %dma_wait3A_172] : memref<10240x64xf32, #tpu.memory_space<hbm>> -> memref<10240x64xf32, #tpu.memory_space<hbm>>
      tpu.wait_indirect_dma semaphore(%arg13 : memref<!tpu.dma_semaphore, #tpu.memory_space<semaphore_mem>>) src(%dma_wait3A_173 : memref<10240x64xf32, #tpu.memory_space<hbm>>) dst(%dma_wait3A_167 : memref<256x64xf32, #tpu.memory_space<vmem>>)
      %dma_start3A_174 = arith.constant 2 : i32
      %dma_start3A_175 = arith.constant 0 : i32
      %dma_start3A_176 = arith.constant 0 : i32
      %dma_start3A_177 = tpu.memref_slice %arg9[%dma_start3A_174, %dma_start3A_175, %dma_start3A_176] : memref<4x256x64xf32, #tpu.memory_space<vmem>> -> memref<1x256x64xf32, #tpu.memory_space<vmem>>
      %dma_start3A_178 = tpu.memref_squeeze %dma_start3A_177 : memref<1x256x64xf32, #tpu.memory_space<vmem>> -> memref<256x64xf32, #tpu.memory_space<vmem>>
      %dma_start3A_179 = arith.constant 0 : i32
      %dma_start3A_180 = tpu.memref_slice %arg7[%add3A_161, %dma_start3A_179] : memref<40x256xi32, #tpu.memory_space<vmem>> -> memref<1x256xi32, #tpu.memory_space<vmem>>
      %dma_start3A_181 = tpu.memref_squeeze %dma_start3A_180 : memref<1x256xi32, #tpu.memory_space<vmem>> -> memref<256xi32, #tpu.memory_space<vmem>>
      %dma_start3A_182 = arith.constant 0 : i32
      %dma_start3A_183 = arith.constant 0 : i32
      %dma_start3A_184 = tpu.memref_slice %arg10[%dma_start3A_182, %dma_start3A_183] : memref<10240x64xf32, #tpu.memory_space<vmem_shared>> -> memref<10240x64xf32, #tpu.memory_space<vmem_shared>>
      tpu.enqueue_indirect_dma source(%dma_start3A_178 : memref<256x64xf32, #tpu.memory_space<vmem>>) target(%dma_start3A_184 : memref<10240x64xf32, #tpu.memory_space<vmem_shared>>) offsets(%dma_start3A_181 : memref<256xi32, #tpu.memory_space<vmem>>) semaphore(%arg17 : memref<!tpu.dma_semaphore, #tpu.memory_space<semaphore_mem>>) {add = true}
      %mul3A_185 = arith.constant 4 : i32
      %mul3A_186 = arith.muli %scan3A_103, %mul3A_185 : i32
      %add3A_187 = arith.constant 3 : i32
      %add3A_188 = arith.addi %mul3A_186, %add3A_187 : i32
      %dma_wait3A_189 = arith.constant 0 : i32
      %dma_wait3A_190 = arith.constant 3 : i32
      %dma_wait3A_191 = arith.constant 0 : i32
      %dma_wait3A_192 = arith.constant 0 : i32
      %dma_wait3A_193 = tpu.memref_slice %arg9[%dma_wait3A_190, %dma_wait3A_191, %dma_wait3A_192] : memref<4x256x64xf32, #tpu.memory_space<vmem>> -> memref<1x256x64xf32, #tpu.memory_space<vmem>>
      %dma_wait3A_194 = tpu.memref_squeeze %dma_wait3A_193 : memref<1x256x64xf32, #tpu.memory_space<vmem>> -> memref<256x64xf32, #tpu.memory_space<vmem>>
      %dma_wait3A_195 = arith.constant 0 : i32
      %dma_wait3A_196 = tpu.memref_slice %arg8[%dma_wait3A_189, %dma_wait3A_195] : memref<40x256xi32, #tpu.memory_space<vmem>> -> memref<1x256xi32, #tpu.memory_space<vmem>>
      %dma_wait3A_197 = tpu.memref_squeeze %dma_wait3A_196 : memref<1x256xi32, #tpu.memory_space<vmem>> -> memref<256xi32, #tpu.memory_space<vmem>>
      %dma_wait3A_198 = arith.constant 0 : i32
      %dma_wait3A_199 = arith.constant 0 : i32
      %dma_wait3A_200 = tpu.memref_slice %arg4[%dma_wait3A_198, %dma_wait3A_199] : memref<10240x64xf32, #tpu.memory_space<hbm>> -> memref<10240x64xf32, #tpu.memory_space<hbm>>
      tpu.wait_indirect_dma semaphore(%arg14 : memref<!tpu.dma_semaphore, #tpu.memory_space<semaphore_mem>>) src(%dma_wait3A_200 : memref<10240x64xf32, #tpu.memory_space<hbm>>) dst(%dma_wait3A_194 : memref<256x64xf32, #tpu.memory_space<vmem>>)
      %dma_start3A_201 = arith.constant 3 : i32
      %dma_start3A_202 = arith.constant 0 : i32
      %dma_start3A_203 = arith.constant 0 : i32
      %dma_start3A_204 = tpu.memref_slice %arg9[%dma_start3A_201, %dma_start3A_202, %dma_start3A_203] : memref<4x256x64xf32, #tpu.memory_space<vmem>> -> memref<1x256x64xf32, #tpu.memory_space<vmem>>
      %dma_start3A_205 = tpu.memref_squeeze %dma_start3A_204 : memref<1x256x64xf32, #tpu.memory_space<vmem>> -> memref<256x64xf32, #tpu.memory_space<vmem>>
      %dma_start3A_206 = arith.constant 0 : i32
      %dma_start3A_207 = tpu.memref_slice %arg7[%add3A_188, %dma_start3A_206] : memref<40x256xi32, #tpu.memory_space<vmem>> -> memref<1x256xi32, #tpu.memory_space<vmem>>
      %dma_start3A_208 = tpu.memref_squeeze %dma_start3A_207 : memref<1x256xi32, #tpu.memory_space<vmem>> -> memref<256xi32, #tpu.memory_space<vmem>>
      %dma_start3A_209 = arith.constant 0 : i32
      %dma_start3A_210 = arith.constant 0 : i32
      %dma_start3A_211 = tpu.memref_slice %arg10[%dma_start3A_209, %dma_start3A_210] : memref<10240x64xf32, #tpu.memory_space<vmem_shared>> -> memref<10240x64xf32, #tpu.memory_space<vmem_shared>>
      tpu.enqueue_indirect_dma source(%dma_start3A_205 : memref<256x64xf32, #tpu.memory_space<vmem>>) target(%dma_start3A_211 : memref<10240x64xf32, #tpu.memory_space<vmem_shared>>) offsets(%dma_start3A_208 : memref<256xi32, #tpu.memory_space<vmem>>) semaphore(%arg18 : memref<!tpu.dma_semaphore, #tpu.memory_space<semaphore_mem>>) {add = true}
      %mul3A_212 = arith.constant 4 : i32
      %mul3A_213 = arith.muli %scan3A_103, %mul3A_212 : i32
      %add3A_214 = arith.constant 0 : i32
      %add3A_215 = arith.addi %mul3A_213, %add3A_214 : i32
      %add3A_216 = arith.constant 4 : i32
      %add3A_217 = arith.addi %add3A_215, %add3A_216 : i32
      %lt3A = arith.constant 40 : i32
      %lt3A_218 = arith.cmpi slt, %add3A_217, %lt3A : i32
      %convert_element_type3A = arith.extui %lt3A_218 : i1 to i32
      %cond3A = arith.constant 0 : i32
      %cond3A_219 = arith.cmpi ne, %convert_element_type3A, %cond3A : i32
      scf.if %cond3A_219 {
        %dma_wait3A_253 = arith.constant 0 : i32
        %dma_wait3A_254 = arith.constant 0 : i32
        %dma_wait3A_255 = arith.constant 0 : i32
        %dma_wait3A_256 = arith.constant 0 : i32
        %dma_wait3A_257 = tpu.memref_slice %arg9[%dma_wait3A_253, %dma_wait3A_255, %dma_wait3A_256] : memref<4x256x64xf32, #tpu.memory_space<vmem>> -> memref<1x256x64xf32, #tpu.memory_space<vmem>>
        %dma_wait3A_258 = tpu.memref_squeeze %dma_wait3A_257 : memref<1x256x64xf32, #tpu.memory_space<vmem>> -> memref<256x64xf32, #tpu.memory_space<vmem>>
        %dma_wait3A_259 = arith.constant 0 : i32
        %dma_wait3A_260 = tpu.memref_slice %arg7[%dma_wait3A_254, %dma_wait3A_259] : memref<40x256xi32, #tpu.memory_space<vmem>> -> memref<1x256xi32, #tpu.memory_space<vmem>>
        %dma_wait3A_261 = tpu.memref_squeeze %dma_wait3A_260 : memref<1x256xi32, #tpu.memory_space<vmem>> -> memref<256xi32, #tpu.memory_space<vmem>>
        %dma_wait3A_262 = arith.constant 0 : i32
        %dma_wait3A_263 = arith.constant 0 : i32
        %dma_wait3A_264 = tpu.memref_slice %arg10[%dma_wait3A_262, %dma_wait3A_263] : memref<10240x64xf32, #tpu.memory_space<vmem_shared>> -> memref<10240x64xf32, #tpu.memory_space<vmem_shared>>
        tpu.wait_indirect_dma semaphore(%arg15 : memref<!tpu.dma_semaphore, #tpu.memory_space<semaphore_mem>>) src(%dma_wait3A_258 : memref<256x64xf32, #tpu.memory_space<vmem>>) dst(%dma_wait3A_264 : memref<10240x64xf32, #tpu.memory_space<vmem_shared>>)
        %add3A_265 = arith.constant 4 : i32
        %add3A_266 = arith.addi %add3A_215, %add3A_265 : i32
        %dma_start3A_267 = arith.constant 0 : i32
        %dma_start3A_268 = arith.constant 0 : i32
        %dma_start3A_269 = arith.constant 0 : i32
        %dma_start3A_270 = tpu.memref_slice %arg9[%dma_start3A_267, %dma_start3A_268, %dma_start3A_269] : memref<4x256x64xf32, #tpu.memory_space<vmem>> -> memref<1x256x64xf32, #tpu.memory_space<vmem>>
        %dma_start3A_271 = tpu.memref_squeeze %dma_start3A_270 : memref<1x256x64xf32, #tpu.memory_space<vmem>> -> memref<256x64xf32, #tpu.memory_space<vmem>>
        %dma_start3A_272 = arith.constant 0 : i32
        %dma_start3A_273 = tpu.memref_slice %arg8[%add3A_266, %dma_start3A_272] : memref<40x256xi32, #tpu.memory_space<vmem>> -> memref<1x256xi32, #tpu.memory_space<vmem>>
        %dma_start3A_274 = tpu.memref_squeeze %dma_start3A_273 : memref<1x256xi32, #tpu.memory_space<vmem>> -> memref<256xi32, #tpu.memory_space<vmem>>
        %dma_start3A_275 = arith.constant 0 : i32
        %dma_start3A_276 = arith.constant 0 : i32
        %dma_start3A_277 = tpu.memref_slice %arg4[%dma_start3A_275, %dma_start3A_276] : memref<10240x64xf32, #tpu.memory_space<hbm>> -> memref<10240x64xf32, #tpu.memory_space<hbm>>
        tpu.enqueue_indirect_dma source(%dma_start3A_277 : memref<10240x64xf32, #tpu.memory_space<hbm>>) target(%dma_start3A_271 : memref<256x64xf32, #tpu.memory_space<vmem>>) offsets(%dma_start3A_274 : memref<256xi32, #tpu.memory_space<vmem>>) semaphore(%arg11 : memref<!tpu.dma_semaphore, #tpu.memory_space<semaphore_mem>>)
      } else {
      }
      %mul3A_220 = arith.constant 4 : i32
      %mul3A_221 = arith.muli %scan3A_103, %mul3A_220 : i32
      %add3A_222 = arith.constant 1 : i32
      %add3A_223 = arith.addi %mul3A_221, %add3A_222 : i32
      %add3A_224 = arith.constant 4 : i32
      %add3A_225 = arith.addi %add3A_223, %add3A_224 : i32
      %lt3A_226 = arith.constant 40 : i32
      %lt3A_227 = arith.cmpi slt, %add3A_225, %lt3A_226 : i32
      %convert_element_type3A_228 = arith.extui %lt3A_227 : i1 to i32
      %cond3A_229 = arith.constant 0 : i32
      %cond3A_230 = arith.cmpi ne, %convert_element_type3A_228, %cond3A_229 : i32
      scf.if %cond3A_230 {
        %dma_wait3A_253 = arith.constant 1 : i32
        %dma_wait3A_254 = arith.constant 0 : i32
        %dma_wait3A_255 = arith.constant 0 : i32
        %dma_wait3A_256 = arith.constant 0 : i32
        %dma_wait3A_257 = tpu.memref_slice %arg9[%dma_wait3A_253, %dma_wait3A_255, %dma_wait3A_256] : memref<4x256x64xf32, #tpu.memory_space<vmem>> -> memref<1x256x64xf32, #tpu.memory_space<vmem>>
        %dma_wait3A_258 = tpu.memref_squeeze %dma_wait3A_257 : memref<1x256x64xf32, #tpu.memory_space<vmem>> -> memref<256x64xf32, #tpu.memory_space<vmem>>
        %dma_wait3A_259 = arith.constant 0 : i32
        %dma_wait3A_260 = tpu.memref_slice %arg7[%dma_wait3A_254, %dma_wait3A_259] : memref<40x256xi32, #tpu.memory_space<vmem>> -> memref<1x256xi32, #tpu.memory_space<vmem>>
        %dma_wait3A_261 = tpu.memref_squeeze %dma_wait3A_260 : memref<1x256xi32, #tpu.memory_space<vmem>> -> memref<256xi32, #tpu.memory_space<vmem>>
        %dma_wait3A_262 = arith.constant 0 : i32
        %dma_wait3A_263 = arith.constant 0 : i32
        %dma_wait3A_264 = tpu.memref_slice %arg10[%dma_wait3A_262, %dma_wait3A_263] : memref<10240x64xf32, #tpu.memory_space<vmem_shared>> -> memref<10240x64xf32, #tpu.memory_space<vmem_shared>>
        tpu.wait_indirect_dma semaphore(%arg16 : memref<!tpu.dma_semaphore, #tpu.memory_space<semaphore_mem>>) src(%dma_wait3A_258 : memref<256x64xf32, #tpu.memory_space<vmem>>) dst(%dma_wait3A_264 : memref<10240x64xf32, #tpu.memory_space<vmem_shared>>)
        %add3A_265 = arith.constant 4 : i32
        %add3A_266 = arith.addi %add3A_223, %add3A_265 : i32
        %dma_start3A_267 = arith.constant 1 : i32
        %dma_start3A_268 = arith.constant 0 : i32
        %dma_start3A_269 = arith.constant 0 : i32
        %dma_start3A_270 = tpu.memref_slice %arg9[%dma_start3A_267, %dma_start3A_268, %dma_start3A_269] : memref<4x256x64xf32, #tpu.memory_space<vmem>> -> memref<1x256x64xf32, #tpu.memory_space<vmem>>
        %dma_start3A_271 = tpu.memref_squeeze %dma_start3A_270 : memref<1x256x64xf32, #tpu.memory_space<vmem>> -> memref<256x64xf32, #tpu.memory_space<vmem>>
        %dma_start3A_272 = arith.constant 0 : i32
        %dma_start3A_273 = tpu.memref_slice %arg8[%add3A_266, %dma_start3A_272] : memref<40x256xi32, #tpu.memory_space<vmem>> -> memref<1x256xi32, #tpu.memory_space<vmem>>
        %dma_start3A_274 = tpu.memref_squeeze %dma_start3A_273 : memref<1x256xi32, #tpu.memory_space<vmem>> -> memref<256xi32, #tpu.memory_space<vmem>>
        %dma_start3A_275 = arith.constant 0 : i32
        %dma_start3A_276 = arith.constant 0 : i32
        %dma_start3A_277 = tpu.memref_slice %arg4[%dma_start3A_275, %dma_start3A_276] : memref<10240x64xf32, #tpu.memory_space<hbm>> -> memref<10240x64xf32, #tpu.memory_space<hbm>>
        tpu.enqueue_indirect_dma source(%dma_start3A_277 : memref<10240x64xf32, #tpu.memory_space<hbm>>) target(%dma_start3A_271 : memref<256x64xf32, #tpu.memory_space<vmem>>) offsets(%dma_start3A_274 : memref<256xi32, #tpu.memory_space<vmem>>) semaphore(%arg12 : memref<!tpu.dma_semaphore, #tpu.memory_space<semaphore_mem>>)
      } else {
      }
      %mul3A_231 = arith.constant 4 : i32
      %mul3A_232 = arith.muli %scan3A_103, %mul3A_231 : i32
      %add3A_233 = arith.constant 2 : i32
      %add3A_234 = arith.addi %mul3A_232, %add3A_233 : i32
      %add3A_235 = arith.constant 4 : i32
      %add3A_236 = arith.addi %add3A_234, %add3A_235 : i32
      %lt3A_237 = arith.constant 40 : i32
      %lt3A_238 = arith.cmpi slt, %add3A_236, %lt3A_237 : i32
      %convert_element_type3A_239 = arith.extui %lt3A_238 : i1 to i32
      %cond3A_240 = arith.constant 0 : i32
      %cond3A_241 = arith.cmpi ne, %convert_element_type3A_239, %cond3A_240 : i32
      scf.if %cond3A_241 {
        %dma_wait3A_253 = arith.constant 2 : i32
        %dma_wait3A_254 = arith.constant 0 : i32
        %dma_wait3A_255 = arith.constant 0 : i32
        %dma_wait3A_256 = arith.constant 0 : i32
        %dma_wait3A_257 = tpu.memref_slice %arg9[%dma_wait3A_253, %dma_wait3A_255, %dma_wait3A_256] : memref<4x256x64xf32, #tpu.memory_space<vmem>> -> memref<1x256x64xf32, #tpu.memory_space<vmem>>
        %dma_wait3A_258 = tpu.memref_squeeze %dma_wait3A_257 : memref<1x256x64xf32, #tpu.memory_space<vmem>> -> memref<256x64xf32, #tpu.memory_space<vmem>>
        %dma_wait3A_259 = arith.constant 0 : i32
        %dma_wait3A_260 = tpu.memref_slice %arg7[%dma_wait3A_254, %dma_wait3A_259] : memref<40x256xi32, #tpu.memory_space<vmem>> -> memref<1x256xi32, #tpu.memory_space<vmem>>
        %dma_wait3A_261 = tpu.memref_squeeze %dma_wait3A_260 : memref<1x256xi32, #tpu.memory_space<vmem>> -> memref<256xi32, #tpu.memory_space<vmem>>
        %dma_wait3A_262 = arith.constant 0 : i32
        %dma_wait3A_263 = arith.constant 0 : i32
        %dma_wait3A_264 = tpu.memref_slice %arg10[%dma_wait3A_262, %dma_wait3A_263] : memref<10240x64xf32, #tpu.memory_space<vmem_shared>> -> memref<10240x64xf32, #tpu.memory_space<vmem_shared>>
        tpu.wait_indirect_dma semaphore(%arg17 : memref<!tpu.dma_semaphore, #tpu.memory_space<semaphore_mem>>) src(%dma_wait3A_258 : memref<256x64xf32, #tpu.memory_space<vmem>>) dst(%dma_wait3A_264 : memref<10240x64xf32, #tpu.memory_space<vmem_shared>>)
        %add3A_265 = arith.constant 4 : i32
        %add3A_266 = arith.addi %add3A_234, %add3A_265 : i32
        %dma_start3A_267 = arith.constant 2 : i32
        %dma_start3A_268 = arith.constant 0 : i32
        %dma_start3A_269 = arith.constant 0 : i32
        %dma_start3A_270 = tpu.memref_slice %arg9[%dma_start3A_267, %dma_start3A_268, %dma_start3A_269] : memref<4x256x64xf32, #tpu.memory_space<vmem>> -> memref<1x256x64xf32, #tpu.memory_space<vmem>>
        %dma_start3A_271 = tpu.memref_squeeze %dma_start3A_270 : memref<1x256x64xf32, #tpu.memory_space<vmem>> -> memref<256x64xf32, #tpu.memory_space<vmem>>
        %dma_start3A_272 = arith.constant 0 : i32
        %dma_start3A_273 = tpu.memref_slice %arg8[%add3A_266, %dma_start3A_272] : memref<40x256xi32, #tpu.memory_space<vmem>> -> memref<1x256xi32, #tpu.memory_space<vmem>>
        %dma_start3A_274 = tpu.memref_squeeze %dma_start3A_273 : memref<1x256xi32, #tpu.memory_space<vmem>> -> memref<256xi32, #tpu.memory_space<vmem>>
        %dma_start3A_275 = arith.constant 0 : i32
        %dma_start3A_276 = arith.constant 0 : i32
        %dma_start3A_277 = tpu.memref_slice %arg4[%dma_start3A_275, %dma_start3A_276] : memref<10240x64xf32, #tpu.memory_space<hbm>> -> memref<10240x64xf32, #tpu.memory_space<hbm>>
        tpu.enqueue_indirect_dma source(%dma_start3A_277 : memref<10240x64xf32, #tpu.memory_space<hbm>>) target(%dma_start3A_271 : memref<256x64xf32, #tpu.memory_space<vmem>>) offsets(%dma_start3A_274 : memref<256xi32, #tpu.memory_space<vmem>>) semaphore(%arg13 : memref<!tpu.dma_semaphore, #tpu.memory_space<semaphore_mem>>)
      } else {
      }
      %mul3A_242 = arith.constant 4 : i32
      %mul3A_243 = arith.muli %scan3A_103, %mul3A_242 : i32
      %add3A_244 = arith.constant 3 : i32
      %add3A_245 = arith.addi %mul3A_243, %add3A_244 : i32
      %add3A_246 = arith.constant 4 : i32
      %add3A_247 = arith.addi %add3A_245, %add3A_246 : i32
      %lt3A_248 = arith.constant 40 : i32
      %lt3A_249 = arith.cmpi slt, %add3A_247, %lt3A_248 : i32
      %convert_element_type3A_250 = arith.extui %lt3A_249 : i1 to i32
      %cond3A_251 = arith.constant 0 : i32
      %cond3A_252 = arith.cmpi ne, %convert_element_type3A_250, %cond3A_251 : i32
      scf.if %cond3A_252 {
        %dma_wait3A_253 = arith.constant 3 : i32
        %dma_wait3A_254 = arith.constant 0 : i32
        %dma_wait3A_255 = arith.constant 0 : i32
        %dma_wait3A_256 = arith.constant 0 : i32
        %dma_wait3A_257 = tpu.memref_slice %arg9[%dma_wait3A_253, %dma_wait3A_255, %dma_wait3A_256] : memref<4x256x64xf32, #tpu.memory_space<vmem>> -> memref<1x256x64xf32, #tpu.memory_space<vmem>>
        %dma_wait3A_258 = tpu.memref_squeeze %dma_wait3A_257 : memref<1x256x64xf32, #tpu.memory_space<vmem>> -> memref<256x64xf32, #tpu.memory_space<vmem>>
        %dma_wait3A_259 = arith.constant 0 : i32
        %dma_wait3A_260 = tpu.memref_slice %arg7[%dma_wait3A_254, %dma_wait3A_259] : memref<40x256xi32, #tpu.memory_space<vmem>> -> memref<1x256xi32, #tpu.memory_space<vmem>>
        %dma_wait3A_261 = tpu.memref_squeeze %dma_wait3A_260 : memref<1x256xi32, #tpu.memory_space<vmem>> -> memref<256xi32, #tpu.memory_space<vmem>>
        %dma_wait3A_262 = arith.constant 0 : i32
        %dma_wait3A_263 = arith.constant 0 : i32
        %dma_wait3A_264 = tpu.memref_slice %arg10[%dma_wait3A_262, %dma_wait3A_263] : memref<10240x64xf32, #tpu.memory_space<vmem_shared>> -> memref<10240x64xf32, #tpu.memory_space<vmem_shared>>
        tpu.wait_indirect_dma semaphore(%arg18 : memref<!tpu.dma_semaphore, #tpu.memory_space<semaphore_mem>>) src(%dma_wait3A_258 : memref<256x64xf32, #tpu.memory_space<vmem>>) dst(%dma_wait3A_264 : memref<10240x64xf32, #tpu.memory_space<vmem_shared>>)
        %add3A_265 = arith.constant 4 : i32
        %add3A_266 = arith.addi %add3A_245, %add3A_265 : i32
        %dma_start3A_267 = arith.constant 3 : i32
        %dma_start3A_268 = arith.constant 0 : i32
        %dma_start3A_269 = arith.constant 0 : i32
        %dma_start3A_270 = tpu.memref_slice %arg9[%dma_start3A_267, %dma_start3A_268, %dma_start3A_269] : memref<4x256x64xf32, #tpu.memory_space<vmem>> -> memref<1x256x64xf32, #tpu.memory_space<vmem>>
        %dma_start3A_271 = tpu.memref_squeeze %dma_start3A_270 : memref<1x256x64xf32, #tpu.memory_space<vmem>> -> memref<256x64xf32, #tpu.memory_space<vmem>>
        %dma_start3A_272 = arith.constant 0 : i32
        %dma_start3A_273 = tpu.memref_slice %arg8[%add3A_266, %dma_start3A_272] : memref<40x256xi32, #tpu.memory_space<vmem>> -> memref<1x256xi32, #tpu.memory_space<vmem>>
        %dma_start3A_274 = tpu.memref_squeeze %dma_start3A_273 : memref<1x256xi32, #tpu.memory_space<vmem>> -> memref<256xi32, #tpu.memory_space<vmem>>
        %dma_start3A_275 = arith.constant 0 : i32
        %dma_start3A_276 = arith.constant 0 : i32
        %dma_start3A_277 = tpu.memref_slice %arg4[%dma_start3A_275, %dma_start3A_276] : memref<10240x64xf32, #tpu.memory_space<hbm>> -> memref<10240x64xf32, #tpu.memory_space<hbm>>
        tpu.enqueue_indirect_dma source(%dma_start3A_277 : memref<10240x64xf32, #tpu.memory_space<hbm>>) target(%dma_start3A_271 : memref<256x64xf32, #tpu.memory_space<vmem>>) offsets(%dma_start3A_274 : memref<256xi32, #tpu.memory_space<vmem>>) semaphore(%arg14 : memref<!tpu.dma_semaphore, #tpu.memory_space<semaphore_mem>>)
      } else {
      }
    }
    %scan3A_54 = arith.constant 10 : i32
    %dma_wait3A = arith.constant 0 : i32
    %dma_wait3A_55 = arith.constant 0 : i32
    %dma_wait3A_56 = arith.constant 0 : i32
    %dma_wait3A_57 = arith.constant 0 : i32
    %dma_wait3A_58 = tpu.memref_slice %arg9[%dma_wait3A, %dma_wait3A_56, %dma_wait3A_57] : memref<4x256x64xf32, #tpu.memory_space<vmem>> -> memref<1x256x64xf32, #tpu.memory_space<vmem>>
    %dma_wait3A_59 = tpu.memref_squeeze %dma_wait3A_58 : memref<1x256x64xf32, #tpu.memory_space<vmem>> -> memref<256x64xf32, #tpu.memory_space<vmem>>
    %dma_wait3A_60 = arith.constant 0 : i32
    %dma_wait3A_61 = tpu.memref_slice %arg7[%dma_wait3A_55, %dma_wait3A_60] : memref<40x256xi32, #tpu.memory_space<vmem>> -> memref<1x256xi32, #tpu.memory_space<vmem>>
    %dma_wait3A_62 = tpu.memref_squeeze %dma_wait3A_61 : memref<1x256xi32, #tpu.memory_space<vmem>> -> memref<256xi32, #tpu.memory_space<vmem>>
    %dma_wait3A_63 = arith.constant 0 : i32
    %dma_wait3A_64 = arith.constant 0 : i32
    %dma_wait3A_65 = tpu.memref_slice %arg10[%dma_wait3A_63, %dma_wait3A_64] : memref<10240x64xf32, #tpu.memory_space<vmem_shared>> -> memref<10240x64xf32, #tpu.memory_space<vmem_shared>>
    tpu.wait_indirect_dma semaphore(%arg15 : memref<!tpu.dma_semaphore, #tpu.memory_space<semaphore_mem>>) src(%dma_wait3A_59 : memref<256x64xf32, #tpu.memory_space<vmem>>) dst(%dma_wait3A_65 : memref<10240x64xf32, #tpu.memory_space<vmem_shared>>)
    %dma_wait3A_66 = arith.constant 1 : i32
    %dma_wait3A_67 = arith.constant 0 : i32
    %dma_wait3A_68 = arith.constant 0 : i32
    %dma_wait3A_69 = arith.constant 0 : i32
    %dma_wait3A_70 = tpu.memref_slice %arg9[%dma_wait3A_66, %dma_wait3A_68, %dma_wait3A_69] : memref<4x256x64xf32, #tpu.memory_space<vmem>> -> memref<1x256x64xf32, #tpu.memory_space<vmem>>
    %dma_wait3A_71 = tpu.memref_squeeze %dma_wait3A_70 : memref<1x256x64xf32, #tpu.memory_space<vmem>> -> memref<256x64xf32, #tpu.memory_space<vmem>>
    %dma_wait3A_72 = arith.constant 0 : i32
    %dma_wait3A_73 = tpu.memref_slice %arg7[%dma_wait3A_67, %dma_wait3A_72] : memref<40x256xi32, #tpu.memory_space<vmem>> -> memref<1x256xi32, #tpu.memory_space<vmem>>
    %dma_wait3A_74 = tpu.memref_squeeze %dma_wait3A_73 : memref<1x256xi32, #tpu.memory_space<vmem>> -> memref<256xi32, #tpu.memory_space<vmem>>
    %dma_wait3A_75 = arith.constant 0 : i32
    %dma_wait3A_76 = arith.constant 0 : i32
    %dma_wait3A_77 = tpu.memref_slice %arg10[%dma_wait3A_75, %dma_wait3A_76] : memref<10240x64xf32, #tpu.memory_space<vmem_shared>> -> memref<10240x64xf32, #tpu.memory_space<vmem_shared>>
    tpu.wait_indirect_dma semaphore(%arg16 : memref<!tpu.dma_semaphore, #tpu.memory_space<semaphore_mem>>) src(%dma_wait3A_71 : memref<256x64xf32, #tpu.memory_space<vmem>>) dst(%dma_wait3A_77 : memref<10240x64xf32, #tpu.memory_space<vmem_shared>>)
    %dma_wait3A_78 = arith.constant 2 : i32
    %dma_wait3A_79 = arith.constant 0 : i32
    %dma_wait3A_80 = arith.constant 0 : i32
    %dma_wait3A_81 = arith.constant 0 : i32
    %dma_wait3A_82 = tpu.memref_slice %arg9[%dma_wait3A_78, %dma_wait3A_80, %dma_wait3A_81] : memref<4x256x64xf32, #tpu.memory_space<vmem>> -> memref<1x256x64xf32, #tpu.memory_space<vmem>>
    %dma_wait3A_83 = tpu.memref_squeeze %dma_wait3A_82 : memref<1x256x64xf32, #tpu.memory_space<vmem>> -> memref<256x64xf32, #tpu.memory_space<vmem>>
    %dma_wait3A_84 = arith.constant 0 : i32
    %dma_wait3A_85 = tpu.memref_slice %arg7[%dma_wait3A_79, %dma_wait3A_84] : memref<40x256xi32, #tpu.memory_space<vmem>> -> memref<1x256xi32, #tpu.memory_space<vmem>>
    %dma_wait3A_86 = tpu.memref_squeeze %dma_wait3A_85 : memref<1x256xi32, #tpu.memory_space<vmem>> -> memref<256xi32, #tpu.memory_space<vmem>>
    %dma_wait3A_87 = arith.constant 0 : i32
    %dma_wait3A_88 = arith.constant 0 : i32
    %dma_wait3A_89 = tpu.memref_slice %arg10[%dma_wait3A_87, %dma_wait3A_88] : memref<10240x64xf32, #tpu.memory_space<vmem_shared>> -> memref<10240x64xf32, #tpu.memory_space<vmem_shared>>
    tpu.wait_indirect_dma semaphore(%arg17 : memref<!tpu.dma_semaphore, #tpu.memory_space<semaphore_mem>>) src(%dma_wait3A_83 : memref<256x64xf32, #tpu.memory_space<vmem>>) dst(%dma_wait3A_89 : memref<10240x64xf32, #tpu.memory_space<vmem_shared>>)
    %dma_wait3A_90 = arith.constant 3 : i32
    %dma_wait3A_91 = arith.constant 0 : i32
    %dma_wait3A_92 = arith.constant 0 : i32
    %dma_wait3A_93 = arith.constant 0 : i32
    %dma_wait3A_94 = tpu.memref_slice %arg9[%dma_wait3A_90, %dma_wait3A_92, %dma_wait3A_93] : memref<4x256x64xf32, #tpu.memory_space<vmem>> -> memref<1x256x64xf32, #tpu.memory_space<vmem>>
    %dma_wait3A_95 = tpu.memref_squeeze %dma_wait3A_94 : memref<1x256x64xf32, #tpu.memory_space<vmem>> -> memref<256x64xf32, #tpu.memory_space<vmem>>
    %dma_wait3A_96 = arith.constant 0 : i32
    %dma_wait3A_97 = tpu.memref_slice %arg7[%dma_wait3A_91, %dma_wait3A_96] : memref<40x256xi32, #tpu.memory_space<vmem>> -> memref<1x256xi32, #tpu.memory_space<vmem>>
    %dma_wait3A_98 = tpu.memref_squeeze %dma_wait3A_97 : memref<1x256xi32, #tpu.memory_space<vmem>> -> memref<256xi32, #tpu.memory_space<vmem>>
    %dma_wait3A_99 = arith.constant 0 : i32
    %dma_wait3A_100 = arith.constant 0 : i32
    %dma_wait3A_101 = tpu.memref_slice %arg10[%dma_wait3A_99, %dma_wait3A_100] : memref<10240x64xf32, #tpu.memory_space<vmem_shared>> -> memref<10240x64xf32, #tpu.memory_space<vmem_shared>>
    tpu.wait_indirect_dma semaphore(%arg18 : memref<!tpu.dma_semaphore, #tpu.memory_space<semaphore_mem>>) src(%dma_wait3A_95 : memref<256x64xf32, #tpu.memory_space<vmem>>) dst(%dma_wait3A_101 : memref<10240x64xf32, #tpu.memory_space<vmem_shared>>)
    %barrier3A_102 = arith.constant 0 : index
    tpu.barrier barrier_id(%barrier3A_102)
    "tpu.region"() ({
      %run_scoped3A = tpu.sem_alloc : memref<!tpu.dma_semaphore, #tpu.memory_space<semaphore_mem>>
      %dma_start3A_103 = arith.constant 0 : i32
      %dma_start3A_104 = tpu.memref_slice %arg6[%arg0, %mul3A_2, %dma_start3A_103] : memref<2x10240x64xf32, #tpu.memory_space<hbm>> -> memref<1x640x64xf32, #tpu.memory_space<hbm>>
      %dma_start3A_105 = tpu.memref_squeeze %dma_start3A_104 : memref<1x640x64xf32, #tpu.memory_space<hbm>> -> memref<640x64xf32, #tpu.memory_space<hbm>>
      %dma_start3A_106 = arith.constant 0 : i32
      %dma_start3A_107 = tpu.memref_slice %arg10[%mul3A_2, %dma_start3A_106] : memref<10240x64xf32, #tpu.memory_space<vmem_shared>> -> memref<640x64xf32, #tpu.memory_space<vmem_shared>>
      tpu.enqueue_dma source(%dma_start3A_107 : memref<640x64xf32, #tpu.memory_space<vmem_shared>>) target(%dma_start3A_105 : memref<640x64xf32, #tpu.memory_space<hbm>>) target_semaphore(%run_scoped3A : memref<!tpu.dma_semaphore, #tpu.memory_space<semaphore_mem>>)
      %dma_wait3A_108 = arith.constant 0 : i32
      %dma_wait3A_109 = tpu.memref_slice %arg6[%arg0, %mul3A_2, %dma_wait3A_108] : memref<2x10240x64xf32, #tpu.memory_space<hbm>> -> memref<1x640x64xf32, #tpu.memory_space<hbm>>
      %dma_wait3A_110 = tpu.memref_squeeze %dma_wait3A_109 : memref<1x640x64xf32, #tpu.memory_space<hbm>> -> memref<640x64xf32, #tpu.memory_space<hbm>>
      %dma_wait3A_111 = arith.constant 0 : i32
      %dma_wait3A_112 = tpu.memref_slice %arg10[%mul3A_2, %dma_wait3A_111] : memref<10240x64xf32, #tpu.memory_space<vmem_shared>> -> memref<640x64xf32, #tpu.memory_space<vmem_shared>>
      tpu.wait_dma2 semaphore(%run_scoped3A : memref<!tpu.dma_semaphore, #tpu.memory_space<semaphore_mem>>) src(%dma_wait3A_112 : memref<640x64xf32, #tpu.memory_space<vmem_shared>>) dst(%dma_wait3A_110 : memref<640x64xf32, #tpu.memory_space<hbm>>)
      tpu.yield
    }) : () -> ()
    return
  }
}

#map = affine_map<(d0, d1) -> (0, 0, 0)>
#map1 = affine_map<(d0, d1) -> (0, 0)>
module attributes {stable_mosaic.version = 14 : i64} {
  func.func @_k1_indeg(%arg0: i32, %arg1: i32, %arg2: memref<32x40x256xi32, #tpu.memory_space<hbm>>, %arg3: memref<256x16xf32, #tpu.memory_space<hbm>>, %arg4: memref<10240x16xf32, #tpu.memory_space<hbm>>, %arg5: memref<2x10240x16xf32, #tpu.memory_space<hbm>>, %arg6: memref<40x256xi32, #tpu.memory_space<vmem>>, %arg7: memref<256x16xf32, #tpu.memory_space<vmem>>, %arg8: memref<10240x16xf32, #tpu.memory_space<vmem_shared>>, %arg9: memref<!tpu.dma_semaphore, #tpu.memory_space<semaphore_mem>>, %arg10: memref<!tpu.dma_semaphore, #tpu.memory_space<semaphore_mem>>) attributes {dimension_semantics = [#tpu.dimension_semantics<core_parallel>, #tpu.dimension_semantics<subcore_parallel>], iteration_bounds = array<i64: 2, 16>, scalar_prefetch = 0 : i64, scratch_operands = 5 : i64, tpu.core_type = #tpu.core_type<sc_vector_subcore>, window_params = [{transform_indices = #map}, {transform_indices = #map1}, {transform_indices = #map1}, {transform_indices = #map}]} {
    %mul3A = arith.constant 16 : i32
    %mul3A_0 = arith.muli %arg0, %mul3A : i32
    %add3A = arith.addi %mul3A_0, %arg1 : i32
    %mul3A_1 = arith.constant 640 : i32
    %mul3A_2 = arith.muli %arg1, %mul3A_1 : i32
    "tpu.region"() ({
      %run_scoped3A = tpu.sem_alloc : memref<!tpu.dma_semaphore, #tpu.memory_space<semaphore_mem>>
      %dma_start3A_35 = arith.constant 0 : i32
      %dma_start3A_36 = tpu.memref_slice %arg8[%mul3A_2, %dma_start3A_35] : memref<10240x16xf32, #tpu.memory_space<vmem_shared>> -> memref<640x16xf32, #tpu.memory_space<vmem_shared>>
      %dma_start3A_37 = arith.constant 0 : i32
      %dma_start3A_38 = tpu.memref_slice %arg4[%mul3A_2, %dma_start3A_37] : memref<10240x16xf32, #tpu.memory_space<hbm>> -> memref<640x16xf32, #tpu.memory_space<hbm>>
      tpu.enqueue_dma source(%dma_start3A_38 : memref<640x16xf32, #tpu.memory_space<hbm>>) target(%dma_start3A_36 : memref<640x16xf32, #tpu.memory_space<vmem_shared>>) target_semaphore(%run_scoped3A : memref<!tpu.dma_semaphore, #tpu.memory_space<semaphore_mem>>)
      %dma_wait3A_39 = arith.constant 0 : i32
      %dma_wait3A_40 = tpu.memref_slice %arg8[%mul3A_2, %dma_wait3A_39] : memref<10240x16xf32, #tpu.memory_space<vmem_shared>> -> memref<640x16xf32, #tpu.memory_space<vmem_shared>>
      %dma_wait3A_41 = arith.constant 0 : i32
      %dma_wait3A_42 = tpu.memref_slice %arg4[%mul3A_2, %dma_wait3A_41] : memref<10240x16xf32, #tpu.memory_space<hbm>> -> memref<640x16xf32, #tpu.memory_space<hbm>>
      tpu.wait_dma2 semaphore(%run_scoped3A : memref<!tpu.dma_semaphore, #tpu.memory_space<semaphore_mem>>) src(%dma_wait3A_42 : memref<640x16xf32, #tpu.memory_space<hbm>>) dst(%dma_wait3A_40 : memref<640x16xf32, #tpu.memory_space<vmem_shared>>)
      tpu.yield
    }) : () -> ()
    "tpu.region"() ({
      %run_scoped3A = tpu.sem_alloc : memref<!tpu.dma_semaphore, #tpu.memory_space<semaphore_mem>>
      tpu.enqueue_dma source(%arg3 : memref<256x16xf32, #tpu.memory_space<hbm>>) target(%arg7 : memref<256x16xf32, #tpu.memory_space<vmem>>) target_semaphore(%run_scoped3A : memref<!tpu.dma_semaphore, #tpu.memory_space<semaphore_mem>>)
      tpu.wait_dma2 semaphore(%run_scoped3A : memref<!tpu.dma_semaphore, #tpu.memory_space<semaphore_mem>>) src(%arg3 : memref<256x16xf32, #tpu.memory_space<hbm>>) dst(%arg7 : memref<256x16xf32, #tpu.memory_space<vmem>>)
      tpu.yield
    }) : () -> ()
    "tpu.region"() ({
      %run_scoped3A = tpu.sem_alloc : memref<!tpu.dma_semaphore, #tpu.memory_space<semaphore_mem>>
      %dma_start3A_35 = arith.constant 0 : i32
      %dma_start3A_36 = arith.constant 0 : i32
      %dma_start3A_37 = tpu.memref_slice %arg2[%add3A, %dma_start3A_35, %dma_start3A_36] : memref<32x40x256xi32, #tpu.memory_space<hbm>> -> memref<1x40x256xi32, #tpu.memory_space<hbm>>
      %dma_start3A_38 = tpu.memref_squeeze %dma_start3A_37 : memref<1x40x256xi32, #tpu.memory_space<hbm>> -> memref<40x256xi32, #tpu.memory_space<hbm>>
      %dma_start3A_39 = arith.constant 0 : i32
      %dma_start3A_40 = arith.constant 0 : i32
      %dma_start3A_41 = tpu.memref_slice %arg2[%add3A, %dma_start3A_39, %dma_start3A_40] : memref<32x40x256xi32, #tpu.memory_space<hbm>> -> memref<1x40x256xi32, #tpu.memory_space<hbm>>
      %dma_start3A_42 = tpu.memref_squeeze %dma_start3A_41 : memref<1x40x256xi32, #tpu.memory_space<hbm>> -> memref<40x256xi32, #tpu.memory_space<hbm>>
      tpu.enqueue_dma source(%dma_start3A_42 : memref<40x256xi32, #tpu.memory_space<hbm>>) target(%arg6 : memref<40x256xi32, #tpu.memory_space<vmem>>) target_semaphore(%run_scoped3A : memref<!tpu.dma_semaphore, #tpu.memory_space<semaphore_mem>>)
      %dma_wait3A_43 = arith.constant 0 : i32
      %dma_wait3A_44 = arith.constant 0 : i32
      %dma_wait3A_45 = tpu.memref_slice %arg2[%add3A, %dma_wait3A_43, %dma_wait3A_44] : memref<32x40x256xi32, #tpu.memory_space<hbm>> -> memref<1x40x256xi32, #tpu.memory_space<hbm>>
      %dma_wait3A_46 = tpu.memref_squeeze %dma_wait3A_45 : memref<1x40x256xi32, #tpu.memory_space<hbm>> -> memref<40x256xi32, #tpu.memory_space<hbm>>
      %dma_wait3A_47 = arith.constant 0 : i32
      %dma_wait3A_48 = arith.constant 0 : i32
      %dma_wait3A_49 = tpu.memref_slice %arg2[%add3A, %dma_wait3A_47, %dma_wait3A_48] : memref<32x40x256xi32, #tpu.memory_space<hbm>> -> memref<1x40x256xi32, #tpu.memory_space<hbm>>
      %dma_wait3A_50 = tpu.memref_squeeze %dma_wait3A_49 : memref<1x40x256xi32, #tpu.memory_space<hbm>> -> memref<40x256xi32, #tpu.memory_space<hbm>>
      tpu.wait_dma2 semaphore(%run_scoped3A : memref<!tpu.dma_semaphore, #tpu.memory_space<semaphore_mem>>) src(%dma_wait3A_50 : memref<40x256xi32, #tpu.memory_space<hbm>>) dst(%arg6 : memref<40x256xi32, #tpu.memory_space<vmem>>)
      tpu.yield
    }) : () -> ()
    %barrier3A = arith.constant 0 : index
    tpu.barrier barrier_id(%barrier3A)
    %dma_start3A = arith.constant 0 : i32
    %dma_start3A_3 = arith.constant 0 : i32
    %dma_start3A_4 = tpu.memref_slice %arg6[%dma_start3A, %dma_start3A_3] : memref<40x256xi32, #tpu.memory_space<vmem>> -> memref<1x256xi32, #tpu.memory_space<vmem>>
    %dma_start3A_5 = tpu.memref_squeeze %dma_start3A_4 : memref<1x256xi32, #tpu.memory_space<vmem>> -> memref<256xi32, #tpu.memory_space<vmem>>
    %dma_start3A_6 = arith.constant 0 : i32
    %dma_start3A_7 = arith.constant 0 : i32
    %dma_start3A_8 = tpu.memref_slice %arg8[%dma_start3A_6, %dma_start3A_7] : memref<10240x16xf32, #tpu.memory_space<vmem_shared>> -> memref<10240x16xf32, #tpu.memory_space<vmem_shared>>
    tpu.enqueue_indirect_dma source(%arg7 : memref<256x16xf32, #tpu.memory_space<vmem>>) target(%dma_start3A_8 : memref<10240x16xf32, #tpu.memory_space<vmem_shared>>) offsets(%dma_start3A_5 : memref<256xi32, #tpu.memory_space<vmem>>) semaphore(%arg9 : memref<!tpu.dma_semaphore, #tpu.memory_space<semaphore_mem>>) {add = true}
    %dma_start3A_9 = arith.constant 1 : i32
    %dma_start3A_10 = arith.constant 0 : i32
    %dma_start3A_11 = tpu.memref_slice %arg6[%dma_start3A_9, %dma_start3A_10] : memref<40x256xi32, #tpu.memory_space<vmem>> -> memref<1x256xi32, #tpu.memory_space<vmem>>
    %dma_start3A_12 = tpu.memref_squeeze %dma_start3A_11 : memref<1x256xi32, #tpu.memory_space<vmem>> -> memref<256xi32, #tpu.memory_space<vmem>>
    %dma_start3A_13 = arith.constant 0 : i32
    %dma_start3A_14 = arith.constant 0 : i32
    %dma_start3A_15 = tpu.memref_slice %arg8[%dma_start3A_13, %dma_start3A_14] : memref<10240x16xf32, #tpu.memory_space<vmem_shared>> -> memref<10240x16xf32, #tpu.memory_space<vmem_shared>>
    tpu.enqueue_indirect_dma source(%arg7 : memref<256x16xf32, #tpu.memory_space<vmem>>) target(%dma_start3A_15 : memref<10240x16xf32, #tpu.memory_space<vmem_shared>>) offsets(%dma_start3A_12 : memref<256xi32, #tpu.memory_space<vmem>>) semaphore(%arg10 : memref<!tpu.dma_semaphore, #tpu.memory_space<semaphore_mem>>) {add = true}
    %scan3A = arith.constant 0 : i32
    %scan3A_16 = arith.constant 0 : i32
    %scan3A_17 = arith.constant 19 : i32
    %scan3A_18 = arith.addi %scan3A_16, %scan3A_17 : i32
    %scan3A_19 = arith.constant 1 : i32
    scf.for %scan3A_35 = %scan3A_16 to %scan3A_18 step %scan3A_19  : i32 {
      %mul3A_36 = arith.constant 2 : i32
      %mul3A_37 = arith.muli %mul3A_36, %scan3A_35 : i32
      %add3A_38 = arith.constant 2 : i32
      %add3A_39 = arith.addi %mul3A_37, %add3A_38 : i32
      %add3A_40 = arith.constant 0 : i32
      %add3A_41 = arith.addi %add3A_39, %add3A_40 : i32
      %dma_wait3A_42 = arith.constant 0 : i32
      %dma_wait3A_43 = arith.constant 0 : i32
      %dma_wait3A_44 = tpu.memref_slice %arg6[%dma_wait3A_42, %dma_wait3A_43] : memref<40x256xi32, #tpu.memory_space<vmem>> -> memref<1x256xi32, #tpu.memory_space<vmem>>
      %dma_wait3A_45 = tpu.memref_squeeze %dma_wait3A_44 : memref<1x256xi32, #tpu.memory_space<vmem>> -> memref<256xi32, #tpu.memory_space<vmem>>
      %dma_wait3A_46 = arith.constant 0 : i32
      %dma_wait3A_47 = arith.constant 0 : i32
      %dma_wait3A_48 = tpu.memref_slice %arg8[%dma_wait3A_46, %dma_wait3A_47] : memref<10240x16xf32, #tpu.memory_space<vmem_shared>> -> memref<10240x16xf32, #tpu.memory_space<vmem_shared>>
      tpu.wait_indirect_dma semaphore(%arg9 : memref<!tpu.dma_semaphore, #tpu.memory_space<semaphore_mem>>) src(%arg7 : memref<256x16xf32, #tpu.memory_space<vmem>>) dst(%dma_wait3A_48 : memref<10240x16xf32, #tpu.memory_space<vmem_shared>>)
      %dma_start3A_49 = arith.constant 0 : i32
      %dma_start3A_50 = tpu.memref_slice %arg6[%add3A_41, %dma_start3A_49] : memref<40x256xi32, #tpu.memory_space<vmem>> -> memref<1x256xi32, #tpu.memory_space<vmem>>
      %dma_start3A_51 = tpu.memref_squeeze %dma_start3A_50 : memref<1x256xi32, #tpu.memory_space<vmem>> -> memref<256xi32, #tpu.memory_space<vmem>>
      %dma_start3A_52 = arith.constant 0 : i32
      %dma_start3A_53 = arith.constant 0 : i32
      %dma_start3A_54 = tpu.memref_slice %arg8[%dma_start3A_52, %dma_start3A_53] : memref<10240x16xf32, #tpu.memory_space<vmem_shared>> -> memref<10240x16xf32, #tpu.memory_space<vmem_shared>>
      tpu.enqueue_indirect_dma source(%arg7 : memref<256x16xf32, #tpu.memory_space<vmem>>) target(%dma_start3A_54 : memref<10240x16xf32, #tpu.memory_space<vmem_shared>>) offsets(%dma_start3A_51 : memref<256xi32, #tpu.memory_space<vmem>>) semaphore(%arg9 : memref<!tpu.dma_semaphore, #tpu.memory_space<semaphore_mem>>) {add = true}
      %mul3A_55 = arith.constant 2 : i32
      %mul3A_56 = arith.muli %mul3A_55, %scan3A_35 : i32
      %add3A_57 = arith.constant 2 : i32
      %add3A_58 = arith.addi %mul3A_56, %add3A_57 : i32
      %add3A_59 = arith.constant 1 : i32
      %add3A_60 = arith.addi %add3A_58, %add3A_59 : i32
      %dma_wait3A_61 = arith.constant 0 : i32
      %dma_wait3A_62 = arith.constant 0 : i32
      %dma_wait3A_63 = tpu.memref_slice %arg6[%dma_wait3A_61, %dma_wait3A_62] : memref<40x256xi32, #tpu.memory_space<vmem>> -> memref<1x256xi32, #tpu.memory_space<vmem>>
      %dma_wait3A_64 = tpu.memref_squeeze %dma_wait3A_63 : memref<1x256xi32, #tpu.memory_space<vmem>> -> memref<256xi32, #tpu.memory_space<vmem>>
      %dma_wait3A_65 = arith.constant 0 : i32
      %dma_wait3A_66 = arith.constant 0 : i32
      %dma_wait3A_67 = tpu.memref_slice %arg8[%dma_wait3A_65, %dma_wait3A_66] : memref<10240x16xf32, #tpu.memory_space<vmem_shared>> -> memref<10240x16xf32, #tpu.memory_space<vmem_shared>>
      tpu.wait_indirect_dma semaphore(%arg10 : memref<!tpu.dma_semaphore, #tpu.memory_space<semaphore_mem>>) src(%arg7 : memref<256x16xf32, #tpu.memory_space<vmem>>) dst(%dma_wait3A_67 : memref<10240x16xf32, #tpu.memory_space<vmem_shared>>)
      %dma_start3A_68 = arith.constant 0 : i32
      %dma_start3A_69 = tpu.memref_slice %arg6[%add3A_60, %dma_start3A_68] : memref<40x256xi32, #tpu.memory_space<vmem>> -> memref<1x256xi32, #tpu.memory_space<vmem>>
      %dma_start3A_70 = tpu.memref_squeeze %dma_start3A_69 : memref<1x256xi32, #tpu.memory_space<vmem>> -> memref<256xi32, #tpu.memory_space<vmem>>
      %dma_start3A_71 = arith.constant 0 : i32
      %dma_start3A_72 = arith.constant 0 : i32
      %dma_start3A_73 = tpu.memref_slice %arg8[%dma_start3A_71, %dma_start3A_72] : memref<10240x16xf32, #tpu.memory_space<vmem_shared>> -> memref<10240x16xf32, #tpu.memory_space<vmem_shared>>
      tpu.enqueue_indirect_dma source(%arg7 : memref<256x16xf32, #tpu.memory_space<vmem>>) target(%dma_start3A_73 : memref<10240x16xf32, #tpu.memory_space<vmem_shared>>) offsets(%dma_start3A_70 : memref<256xi32, #tpu.memory_space<vmem>>) semaphore(%arg10 : memref<!tpu.dma_semaphore, #tpu.memory_space<semaphore_mem>>) {add = true}
    }
    %scan3A_20 = arith.constant 19 : i32
    %dma_wait3A = arith.constant 0 : i32
    %dma_wait3A_21 = arith.constant 0 : i32
    %dma_wait3A_22 = tpu.memref_slice %arg6[%dma_wait3A, %dma_wait3A_21] : memref<40x256xi32, #tpu.memory_space<vmem>> -> memref<1x256xi32, #tpu.memory_space<vmem>>
    %dma_wait3A_23 = tpu.memref_squeeze %dma_wait3A_22 : memref<1x256xi32, #tpu.memory_space<vmem>> -> memref<256xi32, #tpu.memory_space<vmem>>
    %dma_wait3A_24 = arith.constant 0 : i32
    %dma_wait3A_25 = arith.constant 0 : i32
    %dma_wait3A_26 = tpu.memref_slice %arg8[%dma_wait3A_24, %dma_wait3A_25] : memref<10240x16xf32, #tpu.memory_space<vmem_shared>> -> memref<10240x16xf32, #tpu.memory_space<vmem_shared>>
    tpu.wait_indirect_dma semaphore(%arg9 : memref<!tpu.dma_semaphore, #tpu.memory_space<semaphore_mem>>) src(%arg7 : memref<256x16xf32, #tpu.memory_space<vmem>>) dst(%dma_wait3A_26 : memref<10240x16xf32, #tpu.memory_space<vmem_shared>>)
    %dma_wait3A_27 = arith.constant 0 : i32
    %dma_wait3A_28 = arith.constant 0 : i32
    %dma_wait3A_29 = tpu.memref_slice %arg6[%dma_wait3A_27, %dma_wait3A_28] : memref<40x256xi32, #tpu.memory_space<vmem>> -> memref<1x256xi32, #tpu.memory_space<vmem>>
    %dma_wait3A_30 = tpu.memref_squeeze %dma_wait3A_29 : memref<1x256xi32, #tpu.memory_space<vmem>> -> memref<256xi32, #tpu.memory_space<vmem>>
    %dma_wait3A_31 = arith.constant 0 : i32
    %dma_wait3A_32 = arith.constant 0 : i32
    %dma_wait3A_33 = tpu.memref_slice %arg8[%dma_wait3A_31, %dma_wait3A_32] : memref<10240x16xf32, #tpu.memory_space<vmem_shared>> -> memref<10240x16xf32, #tpu.memory_space<vmem_shared>>
    tpu.wait_indirect_dma semaphore(%arg10 : memref<!tpu.dma_semaphore, #tpu.memory_space<semaphore_mem>>) src(%arg7 : memref<256x16xf32, #tpu.memory_space<vmem>>) dst(%dma_wait3A_33 : memref<10240x16xf32, #tpu.memory_space<vmem_shared>>)
    %barrier3A_34 = arith.constant 0 : index
    tpu.barrier barrier_id(%barrier3A_34)
    "tpu.region"() ({
      %run_scoped3A = tpu.sem_alloc : memref<!tpu.dma_semaphore, #tpu.memory_space<semaphore_mem>>
      %dma_start3A_35 = arith.constant 0 : i32
      %dma_start3A_36 = tpu.memref_slice %arg5[%arg0, %mul3A_2, %dma_start3A_35] : memref<2x10240x16xf32, #tpu.memory_space<hbm>> -> memref<1x640x16xf32, #tpu.memory_space<hbm>>
      %dma_start3A_37 = tpu.memref_squeeze %dma_start3A_36 : memref<1x640x16xf32, #tpu.memory_space<hbm>> -> memref<640x16xf32, #tpu.memory_space<hbm>>
      %dma_start3A_38 = arith.constant 0 : i32
      %dma_start3A_39 = tpu.memref_slice %arg8[%mul3A_2, %dma_start3A_38] : memref<10240x16xf32, #tpu.memory_space<vmem_shared>> -> memref<640x16xf32, #tpu.memory_space<vmem_shared>>
      tpu.enqueue_dma source(%dma_start3A_39 : memref<640x16xf32, #tpu.memory_space<vmem_shared>>) target(%dma_start3A_37 : memref<640x16xf32, #tpu.memory_space<hbm>>) target_semaphore(%run_scoped3A : memref<!tpu.dma_semaphore, #tpu.memory_space<semaphore_mem>>)
      %dma_wait3A_40 = arith.constant 0 : i32
      %dma_wait3A_41 = tpu.memref_slice %arg5[%arg0, %mul3A_2, %dma_wait3A_40] : memref<2x10240x16xf32, #tpu.memory_space<hbm>> -> memref<1x640x16xf32, #tpu.memory_space<hbm>>
      %dma_wait3A_42 = tpu.memref_squeeze %dma_wait3A_41 : memref<1x640x16xf32, #tpu.memory_space<hbm>> -> memref<640x16xf32, #tpu.memory_space<hbm>>
      %dma_wait3A_43 = arith.constant 0 : i32
      %dma_wait3A_44 = tpu.memref_slice %arg8[%mul3A_2, %dma_wait3A_43] : memref<10240x16xf32, #tpu.memory_space<vmem_shared>> -> memref<640x16xf32, #tpu.memory_space<vmem_shared>>
      tpu.wait_dma2 semaphore(%run_scoped3A : memref<!tpu.dma_semaphore, #tpu.memory_space<semaphore_mem>>) src(%dma_wait3A_44 : memref<640x16xf32, #tpu.memory_space<vmem_shared>>) dst(%dma_wait3A_42 : memref<640x16xf32, #tpu.memory_space<hbm>>)
      tpu.yield
    }) : () -> ()
    return
  }
}

#map = affine_map<(d0, d1) -> (0, 0, 0)>
#map1 = affine_map<(d0, d1) -> (0, 0)>
module attributes {stable_mosaic.version = 14 : i64} {
  func.func @_k2_edge_pass(%arg0: i32, %arg1: i32, %arg2: memref<32x40x256xi32, #tpu.memory_space<hbm>>, %arg3: memref<32x40x256xi32, #tpu.memory_space<hbm>>, %arg4: memref<10240x64xf32, #tpu.memory_space<hbm>>, %arg5: memref<10240x64xf32, #tpu.memory_space<hbm>>, %arg6: memref<2x10240x64xf32, #tpu.memory_space<hbm>>, %arg7: memref<40x256xi32, #tpu.memory_space<vmem>>, %arg8: memref<40x256xi32, #tpu.memory_space<vmem>>, %arg9: memref<4x256x64xf32, #tpu.memory_space<vmem>>, %arg10: memref<10240x64xf32, #tpu.memory_space<vmem_shared>>, %arg11: memref<!tpu.dma_semaphore, #tpu.memory_space<semaphore_mem>>, %arg12: memref<!tpu.dma_semaphore, #tpu.memory_space<semaphore_mem>>, %arg13: memref<!tpu.dma_semaphore, #tpu.memory_space<semaphore_mem>>, %arg14: memref<!tpu.dma_semaphore, #tpu.memory_space<semaphore_mem>>, %arg15: memref<!tpu.dma_semaphore, #tpu.memory_space<semaphore_mem>>, %arg16: memref<!tpu.dma_semaphore, #tpu.memory_space<semaphore_mem>>, %arg17: memref<!tpu.dma_semaphore, #tpu.memory_space<semaphore_mem>>, %arg18: memref<!tpu.dma_semaphore, #tpu.memory_space<semaphore_mem>>) attributes {dimension_semantics = [#tpu.dimension_semantics<core_parallel>, #tpu.dimension_semantics<subcore_parallel>], iteration_bounds = array<i64: 2, 16>, scalar_prefetch = 0 : i64, scratch_operands = 12 : i64, tpu.core_type = #tpu.core_type<sc_vector_subcore>, window_params = [{transform_indices = #map}, {transform_indices = #map}, {transform_indices = #map1}, {transform_indices = #map1}, {transform_indices = #map}]} {
    %mul3A = arith.constant 16 : i32
    %mul3A_0 = arith.muli %arg0, %mul3A : i32
    %add3A = arith.addi %mul3A_0, %arg1 : i32
    %mul3A_1 = arith.constant 640 : i32
    %mul3A_2 = arith.muli %arg1, %mul3A_1 : i32
    "tpu.region"() ({
      %run_scoped3A = tpu.sem_alloc : memref<!tpu.dma_semaphore, #tpu.memory_space<semaphore_mem>>
      %dma_start3A_103 = arith.constant 0 : i32
      %dma_start3A_104 = tpu.memref_slice %arg10[%mul3A_2, %dma_start3A_103] : memref<10240x64xf32, #tpu.memory_space<vmem_shared>> -> memref<640x64xf32, #tpu.memory_space<vmem_shared>>
      %dma_start3A_105 = arith.constant 0 : i32
      %dma_start3A_106 = tpu.memref_slice %arg5[%mul3A_2, %dma_start3A_105] : memref<10240x64xf32, #tpu.memory_space<hbm>> -> memref<640x64xf32, #tpu.memory_space<hbm>>
      tpu.enqueue_dma source(%dma_start3A_106 : memref<640x64xf32, #tpu.memory_space<hbm>>) target(%dma_start3A_104 : memref<640x64xf32, #tpu.memory_space<vmem_shared>>) target_semaphore(%run_scoped3A : memref<!tpu.dma_semaphore, #tpu.memory_space<semaphore_mem>>)
      %dma_wait3A_107 = arith.constant 0 : i32
      %dma_wait3A_108 = tpu.memref_slice %arg10[%mul3A_2, %dma_wait3A_107] : memref<10240x64xf32, #tpu.memory_space<vmem_shared>> -> memref<640x64xf32, #tpu.memory_space<vmem_shared>>
      %dma_wait3A_109 = arith.constant 0 : i32
      %dma_wait3A_110 = tpu.memref_slice %arg5[%mul3A_2, %dma_wait3A_109] : memref<10240x64xf32, #tpu.memory_space<hbm>> -> memref<640x64xf32, #tpu.memory_space<hbm>>
      tpu.wait_dma2 semaphore(%run_scoped3A : memref<!tpu.dma_semaphore, #tpu.memory_space<semaphore_mem>>) src(%dma_wait3A_110 : memref<640x64xf32, #tpu.memory_space<hbm>>) dst(%dma_wait3A_108 : memref<640x64xf32, #tpu.memory_space<vmem_shared>>)
      tpu.yield
    }) : () -> ()
    "tpu.region"() ({
      %run_scoped3A = tpu.sem_alloc : memref<!tpu.dma_semaphore, #tpu.memory_space<semaphore_mem>>
      %dma_start3A_103 = arith.constant 0 : i32
      %dma_start3A_104 = arith.constant 0 : i32
      %dma_start3A_105 = tpu.memref_slice %arg2[%add3A, %dma_start3A_103, %dma_start3A_104] : memref<32x40x256xi32, #tpu.memory_space<hbm>> -> memref<1x40x256xi32, #tpu.memory_space<hbm>>
      %dma_start3A_106 = tpu.memref_squeeze %dma_start3A_105 : memref<1x40x256xi32, #tpu.memory_space<hbm>> -> memref<40x256xi32, #tpu.memory_space<hbm>>
      %dma_start3A_107 = arith.constant 0 : i32
      %dma_start3A_108 = arith.constant 0 : i32
      %dma_start3A_109 = tpu.memref_slice %arg2[%add3A, %dma_start3A_107, %dma_start3A_108] : memref<32x40x256xi32, #tpu.memory_space<hbm>> -> memref<1x40x256xi32, #tpu.memory_space<hbm>>
      %dma_start3A_110 = tpu.memref_squeeze %dma_start3A_109 : memref<1x40x256xi32, #tpu.memory_space<hbm>> -> memref<40x256xi32, #tpu.memory_space<hbm>>
      tpu.enqueue_dma source(%dma_start3A_110 : memref<40x256xi32, #tpu.memory_space<hbm>>) target(%arg7 : memref<40x256xi32, #tpu.memory_space<vmem>>) target_semaphore(%run_scoped3A : memref<!tpu.dma_semaphore, #tpu.memory_space<semaphore_mem>>)
      %dma_wait3A_111 = arith.constant 0 : i32
      %dma_wait3A_112 = arith.constant 0 : i32
      %dma_wait3A_113 = tpu.memref_slice %arg2[%add3A, %dma_wait3A_111, %dma_wait3A_112] : memref<32x40x256xi32, #tpu.memory_space<hbm>> -> memref<1x40x256xi32, #tpu.memory_space<hbm>>
      %dma_wait3A_114 = tpu.memref_squeeze %dma_wait3A_113 : memref<1x40x256xi32, #tpu.memory_space<hbm>> -> memref<40x256xi32, #tpu.memory_space<hbm>>
      %dma_wait3A_115 = arith.constant 0 : i32
      %dma_wait3A_116 = arith.constant 0 : i32
      %dma_wait3A_117 = tpu.memref_slice %arg2[%add3A, %dma_wait3A_115, %dma_wait3A_116] : memref<32x40x256xi32, #tpu.memory_space<hbm>> -> memref<1x40x256xi32, #tpu.memory_space<hbm>>
      %dma_wait3A_118 = tpu.memref_squeeze %dma_wait3A_117 : memref<1x40x256xi32, #tpu.memory_space<hbm>> -> memref<40x256xi32, #tpu.memory_space<hbm>>
      tpu.wait_dma2 semaphore(%run_scoped3A : memref<!tpu.dma_semaphore, #tpu.memory_space<semaphore_mem>>) src(%dma_wait3A_118 : memref<40x256xi32, #tpu.memory_space<hbm>>) dst(%arg7 : memref<40x256xi32, #tpu.memory_space<vmem>>)
      tpu.yield
    }) : () -> ()
    "tpu.region"() ({
      %run_scoped3A = tpu.sem_alloc : memref<!tpu.dma_semaphore, #tpu.memory_space<semaphore_mem>>
      %dma_start3A_103 = arith.constant 0 : i32
      %dma_start3A_104 = arith.constant 0 : i32
      %dma_start3A_105 = tpu.memref_slice %arg3[%add3A, %dma_start3A_103, %dma_start3A_104] : memref<32x40x256xi32, #tpu.memory_space<hbm>> -> memref<1x40x256xi32, #tpu.memory_space<hbm>>
      %dma_start3A_106 = tpu.memref_squeeze %dma_start3A_105 : memref<1x40x256xi32, #tpu.memory_space<hbm>> -> memref<40x256xi32, #tpu.memory_space<hbm>>
      %dma_start3A_107 = arith.constant 0 : i32
      %dma_start3A_108 = arith.constant 0 : i32
      %dma_start3A_109 = tpu.memref_slice %arg3[%add3A, %dma_start3A_107, %dma_start3A_108] : memref<32x40x256xi32, #tpu.memory_space<hbm>> -> memref<1x40x256xi32, #tpu.memory_space<hbm>>
      %dma_start3A_110 = tpu.memref_squeeze %dma_start3A_109 : memref<1x40x256xi32, #tpu.memory_space<hbm>> -> memref<40x256xi32, #tpu.memory_space<hbm>>
      tpu.enqueue_dma source(%dma_start3A_110 : memref<40x256xi32, #tpu.memory_space<hbm>>) target(%arg8 : memref<40x256xi32, #tpu.memory_space<vmem>>) target_semaphore(%run_scoped3A : memref<!tpu.dma_semaphore, #tpu.memory_space<semaphore_mem>>)
      %dma_wait3A_111 = arith.constant 0 : i32
      %dma_wait3A_112 = arith.constant 0 : i32
      %dma_wait3A_113 = tpu.memref_slice %arg3[%add3A, %dma_wait3A_111, %dma_wait3A_112] : memref<32x40x256xi32, #tpu.memory_space<hbm>> -> memref<1x40x256xi32, #tpu.memory_space<hbm>>
      %dma_wait3A_114 = tpu.memref_squeeze %dma_wait3A_113 : memref<1x40x256xi32, #tpu.memory_space<hbm>> -> memref<40x256xi32, #tpu.memory_space<hbm>>
      %dma_wait3A_115 = arith.constant 0 : i32
      %dma_wait3A_116 = arith.constant 0 : i32
      %dma_wait3A_117 = tpu.memref_slice %arg3[%add3A, %dma_wait3A_115, %dma_wait3A_116] : memref<32x40x256xi32, #tpu.memory_space<hbm>> -> memref<1x40x256xi32, #tpu.memory_space<hbm>>
      %dma_wait3A_118 = tpu.memref_squeeze %dma_wait3A_117 : memref<1x40x256xi32, #tpu.memory_space<hbm>> -> memref<40x256xi32, #tpu.memory_space<hbm>>
      tpu.wait_dma2 semaphore(%run_scoped3A : memref<!tpu.dma_semaphore, #tpu.memory_space<semaphore_mem>>) src(%dma_wait3A_118 : memref<40x256xi32, #tpu.memory_space<hbm>>) dst(%arg8 : memref<40x256xi32, #tpu.memory_space<vmem>>)
      tpu.yield
    }) : () -> ()
    %barrier3A = arith.constant 0 : index
    tpu.barrier barrier_id(%barrier3A)
    %dma_start3A = arith.constant 0 : i32
    %dma_start3A_3 = arith.constant 0 : i32
    %dma_start3A_4 = arith.constant 0 : i32
    %dma_start3A_5 = arith.constant 0 : i32
    %dma_start3A_6 = tpu.memref_slice %arg9[%dma_start3A_3, %dma_start3A_4, %dma_start3A_5] : memref<4x256x64xf32, #tpu.memory_space<vmem>> -> memref<1x256x64xf32, #tpu.memory_space<vmem>>
    %dma_start3A_7 = tpu.memref_squeeze %dma_start3A_6 : memref<1x256x64xf32, #tpu.memory_space<vmem>> -> memref<256x64xf32, #tpu.memory_space<vmem>>
    %dma_start3A_8 = arith.constant 0 : i32
    %dma_start3A_9 = tpu.memref_slice %arg8[%dma_start3A, %dma_start3A_8] : memref<40x256xi32, #tpu.memory_space<vmem>> -> memref<1x256xi32, #tpu.memory_space<vmem>>
    %dma_start3A_10 = tpu.memref_squeeze %dma_start3A_9 : memref<1x256xi32, #tpu.memory_space<vmem>> -> memref<256xi32, #tpu.memory_space<vmem>>
    %dma_start3A_11 = arith.constant 0 : i32
    %dma_start3A_12 = arith.constant 0 : i32
    %dma_start3A_13 = tpu.memref_slice %arg4[%dma_start3A_11, %dma_start3A_12] : memref<10240x64xf32, #tpu.memory_space<hbm>> -> memref<10240x64xf32, #tpu.memory_space<hbm>>
    tpu.enqueue_indirect_dma source(%dma_start3A_13 : memref<10240x64xf32, #tpu.memory_space<hbm>>) target(%dma_start3A_7 : memref<256x64xf32, #tpu.memory_space<vmem>>) offsets(%dma_start3A_10 : memref<256xi32, #tpu.memory_space<vmem>>) semaphore(%arg11 : memref<!tpu.dma_semaphore, #tpu.memory_space<semaphore_mem>>)
    %dma_start3A_14 = arith.constant 1 : i32
    %dma_start3A_15 = arith.constant 1 : i32
    %dma_start3A_16 = arith.constant 0 : i32
    %dma_start3A_17 = arith.constant 0 : i32
    %dma_start3A_18 = tpu.memref_slice %arg9[%dma_start3A_15, %dma_start3A_16, %dma_start3A_17] : memref<4x256x64xf32, #tpu.memory_space<vmem>> -> memref<1x256x64xf32, #tpu.memory_space<vmem>>
    %dma_start3A_19 = tpu.memref_squeeze %dma_start3A_18 : memref<1x256x64xf32, #tpu.memory_space<vmem>> -> memref<256x64xf32, #tpu.memory_space<vmem>>
    %dma_start3A_20 = arith.constant 0 : i32
    %dma_start3A_21 = tpu.memref_slice %arg8[%dma_start3A_14, %dma_start3A_20] : memref<40x256xi32, #tpu.memory_space<vmem>> -> memref<1x256xi32, #tpu.memory_space<vmem>>
    %dma_start3A_22 = tpu.memref_squeeze %dma_start3A_21 : memref<1x256xi32, #tpu.memory_space<vmem>> -> memref<256xi32, #tpu.memory_space<vmem>>
    %dma_start3A_23 = arith.constant 0 : i32
    %dma_start3A_24 = arith.constant 0 : i32
    %dma_start3A_25 = tpu.memref_slice %arg4[%dma_start3A_23, %dma_start3A_24] : memref<10240x64xf32, #tpu.memory_space<hbm>> -> memref<10240x64xf32, #tpu.memory_space<hbm>>
    tpu.enqueue_indirect_dma source(%dma_start3A_25 : memref<10240x64xf32, #tpu.memory_space<hbm>>) target(%dma_start3A_19 : memref<256x64xf32, #tpu.memory_space<vmem>>) offsets(%dma_start3A_22 : memref<256xi32, #tpu.memory_space<vmem>>) semaphore(%arg12 : memref<!tpu.dma_semaphore, #tpu.memory_space<semaphore_mem>>)
    %dma_start3A_26 = arith.constant 2 : i32
    %dma_start3A_27 = arith.constant 2 : i32
    %dma_start3A_28 = arith.constant 0 : i32
    %dma_start3A_29 = arith.constant 0 : i32
    %dma_start3A_30 = tpu.memref_slice %arg9[%dma_start3A_27, %dma_start3A_28, %dma_start3A_29] : memref<4x256x64xf32, #tpu.memory_space<vmem>> -> memref<1x256x64xf32, #tpu.memory_space<vmem>>
    %dma_start3A_31 = tpu.memref_squeeze %dma_start3A_30 : memref<1x256x64xf32, #tpu.memory_space<vmem>> -> memref<256x64xf32, #tpu.memory_space<vmem>>
    %dma_start3A_32 = arith.constant 0 : i32
    %dma_start3A_33 = tpu.memref_slice %arg8[%dma_start3A_26, %dma_start3A_32] : memref<40x256xi32, #tpu.memory_space<vmem>> -> memref<1x256xi32, #tpu.memory_space<vmem>>
    %dma_start3A_34 = tpu.memref_squeeze %dma_start3A_33 : memref<1x256xi32, #tpu.memory_space<vmem>> -> memref<256xi32, #tpu.memory_space<vmem>>
    %dma_start3A_35 = arith.constant 0 : i32
    %dma_start3A_36 = arith.constant 0 : i32
    %dma_start3A_37 = tpu.memref_slice %arg4[%dma_start3A_35, %dma_start3A_36] : memref<10240x64xf32, #tpu.memory_space<hbm>> -> memref<10240x64xf32, #tpu.memory_space<hbm>>
    tpu.enqueue_indirect_dma source(%dma_start3A_37 : memref<10240x64xf32, #tpu.memory_space<hbm>>) target(%dma_start3A_31 : memref<256x64xf32, #tpu.memory_space<vmem>>) offsets(%dma_start3A_34 : memref<256xi32, #tpu.memory_space<vmem>>) semaphore(%arg13 : memref<!tpu.dma_semaphore, #tpu.memory_space<semaphore_mem>>)
    %dma_start3A_38 = arith.constant 3 : i32
    %dma_start3A_39 = arith.constant 3 : i32
    %dma_start3A_40 = arith.constant 0 : i32
    %dma_start3A_41 = arith.constant 0 : i32
    %dma_start3A_42 = tpu.memref_slice %arg9[%dma_start3A_39, %dma_start3A_40, %dma_start3A_41] : memref<4x256x64xf32, #tpu.memory_space<vmem>> -> memref<1x256x64xf32, #tpu.memory_space<vmem>>
    %dma_start3A_43 = tpu.memref_squeeze %dma_start3A_42 : memref<1x256x64xf32, #tpu.memory_space<vmem>> -> memref<256x64xf32, #tpu.memory_space<vmem>>
    %dma_start3A_44 = arith.constant 0 : i32
    %dma_start3A_45 = tpu.memref_slice %arg8[%dma_start3A_38, %dma_start3A_44] : memref<40x256xi32, #tpu.memory_space<vmem>> -> memref<1x256xi32, #tpu.memory_space<vmem>>
    %dma_start3A_46 = tpu.memref_squeeze %dma_start3A_45 : memref<1x256xi32, #tpu.memory_space<vmem>> -> memref<256xi32, #tpu.memory_space<vmem>>
    %dma_start3A_47 = arith.constant 0 : i32
    %dma_start3A_48 = arith.constant 0 : i32
    %dma_start3A_49 = tpu.memref_slice %arg4[%dma_start3A_47, %dma_start3A_48] : memref<10240x64xf32, #tpu.memory_space<hbm>> -> memref<10240x64xf32, #tpu.memory_space<hbm>>
    tpu.enqueue_indirect_dma source(%dma_start3A_49 : memref<10240x64xf32, #tpu.memory_space<hbm>>) target(%dma_start3A_43 : memref<256x64xf32, #tpu.memory_space<vmem>>) offsets(%dma_start3A_46 : memref<256xi32, #tpu.memory_space<vmem>>) semaphore(%arg14 : memref<!tpu.dma_semaphore, #tpu.memory_space<semaphore_mem>>)
    %scan3A = arith.constant 0 : i32
    %scan3A_50 = arith.constant 0 : i32
    %scan3A_51 = arith.constant 10 : i32
    %scan3A_52 = arith.addi %scan3A_50, %scan3A_51 : i32
    %scan3A_53 = arith.constant 1 : i32
    scf.for %scan3A_103 = %scan3A_50 to %scan3A_52 step %scan3A_53  : i32 {
      %mul3A_104 = arith.constant 4 : i32
      %mul3A_105 = arith.muli %scan3A_103, %mul3A_104 : i32
      %add3A_106 = arith.constant 0 : i32
      %add3A_107 = arith.addi %mul3A_105, %add3A_106 : i32
      %dma_wait3A_108 = arith.constant 0 : i32
      %dma_wait3A_109 = arith.constant 0 : i32
      %dma_wait3A_110 = arith.constant 0 : i32
      %dma_wait3A_111 = arith.constant 0 : i32
      %dma_wait3A_112 = tpu.memref_slice %arg9[%dma_wait3A_109, %dma_wait3A_110, %dma_wait3A_111] : memref<4x256x64xf32, #tpu.memory_space<vmem>> -> memref<1x256x64xf32, #tpu.memory_space<vmem>>
      %dma_wait3A_113 = tpu.memref_squeeze %dma_wait3A_112 : memref<1x256x64xf32, #tpu.memory_space<vmem>> -> memref<256x64xf32, #tpu.memory_space<vmem>>
      %dma_wait3A_114 = arith.constant 0 : i32
      %dma_wait3A_115 = tpu.memref_slice %arg8[%dma_wait3A_108, %dma_wait3A_114] : memref<40x256xi32, #tpu.memory_space<vmem>> -> memref<1x256xi32, #tpu.memory_space<vmem>>
      %dma_wait3A_116 = tpu.memref_squeeze %dma_wait3A_115 : memref<1x256xi32, #tpu.memory_space<vmem>> -> memref<256xi32, #tpu.memory_space<vmem>>
      %dma_wait3A_117 = arith.constant 0 : i32
      %dma_wait3A_118 = arith.constant 0 : i32
      %dma_wait3A_119 = tpu.memref_slice %arg4[%dma_wait3A_117, %dma_wait3A_118] : memref<10240x64xf32, #tpu.memory_space<hbm>> -> memref<10240x64xf32, #tpu.memory_space<hbm>>
      tpu.wait_indirect_dma semaphore(%arg11 : memref<!tpu.dma_semaphore, #tpu.memory_space<semaphore_mem>>) src(%dma_wait3A_119 : memref<10240x64xf32, #tpu.memory_space<hbm>>) dst(%dma_wait3A_113 : memref<256x64xf32, #tpu.memory_space<vmem>>)
      %dma_start3A_120 = arith.constant 0 : i32
      %dma_start3A_121 = arith.constant 0 : i32
      %dma_start3A_122 = arith.constant 0 : i32
      %dma_start3A_123 = tpu.memref_slice %arg9[%dma_start3A_120, %dma_start3A_121, %dma_start3A_122] : memref<4x256x64xf32, #tpu.memory_space<vmem>> -> memref<1x256x64xf32, #tpu.memory_space<vmem>>
      %dma_start3A_124 = tpu.memref_squeeze %dma_start3A_123 : memref<1x256x64xf32, #tpu.memory_space<vmem>> -> memref<256x64xf32, #tpu.memory_space<vmem>>
      %dma_start3A_125 = arith.constant 0 : i32
      %dma_start3A_126 = tpu.memref_slice %arg7[%add3A_107, %dma_start3A_125] : memref<40x256xi32, #tpu.memory_space<vmem>> -> memref<1x256xi32, #tpu.memory_space<vmem>>
      %dma_start3A_127 = tpu.memref_squeeze %dma_start3A_126 : memref<1x256xi32, #tpu.memory_space<vmem>> -> memref<256xi32, #tpu.memory_space<vmem>>
      %dma_start3A_128 = arith.constant 0 : i32
      %dma_start3A_129 = arith.constant 0 : i32
      %dma_start3A_130 = tpu.memref_slice %arg10[%dma_start3A_128, %dma_start3A_129] : memref<10240x64xf32, #tpu.memory_space<vmem_shared>> -> memref<10240x64xf32, #tpu.memory_space<vmem_shared>>
      tpu.enqueue_indirect_dma source(%dma_start3A_124 : memref<256x64xf32, #tpu.memory_space<vmem>>) target(%dma_start3A_130 : memref<10240x64xf32, #tpu.memory_space<vmem_shared>>) offsets(%dma_start3A_127 : memref<256xi32, #tpu.memory_space<vmem>>) semaphore(%arg15 : memref<!tpu.dma_semaphore, #tpu.memory_space<semaphore_mem>>) {add = true}
      %mul3A_131 = arith.constant 4 : i32
      %mul3A_132 = arith.muli %scan3A_103, %mul3A_131 : i32
      %add3A_133 = arith.constant 1 : i32
      %add3A_134 = arith.addi %mul3A_132, %add3A_133 : i32
      %dma_wait3A_135 = arith.constant 0 : i32
      %dma_wait3A_136 = arith.constant 1 : i32
      %dma_wait3A_137 = arith.constant 0 : i32
      %dma_wait3A_138 = arith.constant 0 : i32
      %dma_wait3A_139 = tpu.memref_slice %arg9[%dma_wait3A_136, %dma_wait3A_137, %dma_wait3A_138] : memref<4x256x64xf32, #tpu.memory_space<vmem>> -> memref<1x256x64xf32, #tpu.memory_space<vmem>>
      %dma_wait3A_140 = tpu.memref_squeeze %dma_wait3A_139 : memref<1x256x64xf32, #tpu.memory_space<vmem>> -> memref<256x64xf32, #tpu.memory_space<vmem>>
      %dma_wait3A_141 = arith.constant 0 : i32
      %dma_wait3A_142 = tpu.memref_slice %arg8[%dma_wait3A_135, %dma_wait3A_141] : memref<40x256xi32, #tpu.memory_space<vmem>> -> memref<1x256xi32, #tpu.memory_space<vmem>>
      %dma_wait3A_143 = tpu.memref_squeeze %dma_wait3A_142 : memref<1x256xi32, #tpu.memory_space<vmem>> -> memref<256xi32, #tpu.memory_space<vmem>>
      %dma_wait3A_144 = arith.constant 0 : i32
      %dma_wait3A_145 = arith.constant 0 : i32
      %dma_wait3A_146 = tpu.memref_slice %arg4[%dma_wait3A_144, %dma_wait3A_145] : memref<10240x64xf32, #tpu.memory_space<hbm>> -> memref<10240x64xf32, #tpu.memory_space<hbm>>
      tpu.wait_indirect_dma semaphore(%arg12 : memref<!tpu.dma_semaphore, #tpu.memory_space<semaphore_mem>>) src(%dma_wait3A_146 : memref<10240x64xf32, #tpu.memory_space<hbm>>) dst(%dma_wait3A_140 : memref<256x64xf32, #tpu.memory_space<vmem>>)
      %dma_start3A_147 = arith.constant 1 : i32
      %dma_start3A_148 = arith.constant 0 : i32
      %dma_start3A_149 = arith.constant 0 : i32
      %dma_start3A_150 = tpu.memref_slice %arg9[%dma_start3A_147, %dma_start3A_148, %dma_start3A_149] : memref<4x256x64xf32, #tpu.memory_space<vmem>> -> memref<1x256x64xf32, #tpu.memory_space<vmem>>
      %dma_start3A_151 = tpu.memref_squeeze %dma_start3A_150 : memref<1x256x64xf32, #tpu.memory_space<vmem>> -> memref<256x64xf32, #tpu.memory_space<vmem>>
      %dma_start3A_152 = arith.constant 0 : i32
      %dma_start3A_153 = tpu.memref_slice %arg7[%add3A_134, %dma_start3A_152] : memref<40x256xi32, #tpu.memory_space<vmem>> -> memref<1x256xi32, #tpu.memory_space<vmem>>
      %dma_start3A_154 = tpu.memref_squeeze %dma_start3A_153 : memref<1x256xi32, #tpu.memory_space<vmem>> -> memref<256xi32, #tpu.memory_space<vmem>>
      %dma_start3A_155 = arith.constant 0 : i32
      %dma_start3A_156 = arith.constant 0 : i32
      %dma_start3A_157 = tpu.memref_slice %arg10[%dma_start3A_155, %dma_start3A_156] : memref<10240x64xf32, #tpu.memory_space<vmem_shared>> -> memref<10240x64xf32, #tpu.memory_space<vmem_shared>>
      tpu.enqueue_indirect_dma source(%dma_start3A_151 : memref<256x64xf32, #tpu.memory_space<vmem>>) target(%dma_start3A_157 : memref<10240x64xf32, #tpu.memory_space<vmem_shared>>) offsets(%dma_start3A_154 : memref<256xi32, #tpu.memory_space<vmem>>) semaphore(%arg16 : memref<!tpu.dma_semaphore, #tpu.memory_space<semaphore_mem>>) {add = true}
      %mul3A_158 = arith.constant 4 : i32
      %mul3A_159 = arith.muli %scan3A_103, %mul3A_158 : i32
      %add3A_160 = arith.constant 2 : i32
      %add3A_161 = arith.addi %mul3A_159, %add3A_160 : i32
      %dma_wait3A_162 = arith.constant 0 : i32
      %dma_wait3A_163 = arith.constant 2 : i32
      %dma_wait3A_164 = arith.constant 0 : i32
      %dma_wait3A_165 = arith.constant 0 : i32
      %dma_wait3A_166 = tpu.memref_slice %arg9[%dma_wait3A_163, %dma_wait3A_164, %dma_wait3A_165] : memref<4x256x64xf32, #tpu.memory_space<vmem>> -> memref<1x256x64xf32, #tpu.memory_space<vmem>>
      %dma_wait3A_167 = tpu.memref_squeeze %dma_wait3A_166 : memref<1x256x64xf32, #tpu.memory_space<vmem>> -> memref<256x64xf32, #tpu.memory_space<vmem>>
      %dma_wait3A_168 = arith.constant 0 : i32
      %dma_wait3A_169 = tpu.memref_slice %arg8[%dma_wait3A_162, %dma_wait3A_168] : memref<40x256xi32, #tpu.memory_space<vmem>> -> memref<1x256xi32, #tpu.memory_space<vmem>>
      %dma_wait3A_170 = tpu.memref_squeeze %dma_wait3A_169 : memref<1x256xi32, #tpu.memory_space<vmem>> -> memref<256xi32, #tpu.memory_space<vmem>>
      %dma_wait3A_171 = arith.constant 0 : i32
      %dma_wait3A_172 = arith.constant 0 : i32
      %dma_wait3A_173 = tpu.memref_slice %arg4[%dma_wait3A_171, %dma_wait3A_172] : memref<10240x64xf32, #tpu.memory_space<hbm>> -> memref<10240x64xf32, #tpu.memory_space<hbm>>
      tpu.wait_indirect_dma semaphore(%arg13 : memref<!tpu.dma_semaphore, #tpu.memory_space<semaphore_mem>>) src(%dma_wait3A_173 : memref<10240x64xf32, #tpu.memory_space<hbm>>) dst(%dma_wait3A_167 : memref<256x64xf32, #tpu.memory_space<vmem>>)
      %dma_start3A_174 = arith.constant 2 : i32
      %dma_start3A_175 = arith.constant 0 : i32
      %dma_start3A_176 = arith.constant 0 : i32
      %dma_start3A_177 = tpu.memref_slice %arg9[%dma_start3A_174, %dma_start3A_175, %dma_start3A_176] : memref<4x256x64xf32, #tpu.memory_space<vmem>> -> memref<1x256x64xf32, #tpu.memory_space<vmem>>
      %dma_start3A_178 = tpu.memref_squeeze %dma_start3A_177 : memref<1x256x64xf32, #tpu.memory_space<vmem>> -> memref<256x64xf32, #tpu.memory_space<vmem>>
      %dma_start3A_179 = arith.constant 0 : i32
      %dma_start3A_180 = tpu.memref_slice %arg7[%add3A_161, %dma_start3A_179] : memref<40x256xi32, #tpu.memory_space<vmem>> -> memref<1x256xi32, #tpu.memory_space<vmem>>
      %dma_start3A_181 = tpu.memref_squeeze %dma_start3A_180 : memref<1x256xi32, #tpu.memory_space<vmem>> -> memref<256xi32, #tpu.memory_space<vmem>>
      %dma_start3A_182 = arith.constant 0 : i32
      %dma_start3A_183 = arith.constant 0 : i32
      %dma_start3A_184 = tpu.memref_slice %arg10[%dma_start3A_182, %dma_start3A_183] : memref<10240x64xf32, #tpu.memory_space<vmem_shared>> -> memref<10240x64xf32, #tpu.memory_space<vmem_shared>>
      tpu.enqueue_indirect_dma source(%dma_start3A_178 : memref<256x64xf32, #tpu.memory_space<vmem>>) target(%dma_start3A_184 : memref<10240x64xf32, #tpu.memory_space<vmem_shared>>) offsets(%dma_start3A_181 : memref<256xi32, #tpu.memory_space<vmem>>) semaphore(%arg17 : memref<!tpu.dma_semaphore, #tpu.memory_space<semaphore_mem>>) {add = true}
      %mul3A_185 = arith.constant 4 : i32
      %mul3A_186 = arith.muli %scan3A_103, %mul3A_185 : i32
      %add3A_187 = arith.constant 3 : i32
      %add3A_188 = arith.addi %mul3A_186, %add3A_187 : i32
      %dma_wait3A_189 = arith.constant 0 : i32
      %dma_wait3A_190 = arith.constant 3 : i32
      %dma_wait3A_191 = arith.constant 0 : i32
      %dma_wait3A_192 = arith.constant 0 : i32
      %dma_wait3A_193 = tpu.memref_slice %arg9[%dma_wait3A_190, %dma_wait3A_191, %dma_wait3A_192] : memref<4x256x64xf32, #tpu.memory_space<vmem>> -> memref<1x256x64xf32, #tpu.memory_space<vmem>>
      %dma_wait3A_194 = tpu.memref_squeeze %dma_wait3A_193 : memref<1x256x64xf32, #tpu.memory_space<vmem>> -> memref<256x64xf32, #tpu.memory_space<vmem>>
      %dma_wait3A_195 = arith.constant 0 : i32
      %dma_wait3A_196 = tpu.memref_slice %arg8[%dma_wait3A_189, %dma_wait3A_195] : memref<40x256xi32, #tpu.memory_space<vmem>> -> memref<1x256xi32, #tpu.memory_space<vmem>>
      %dma_wait3A_197 = tpu.memref_squeeze %dma_wait3A_196 : memref<1x256xi32, #tpu.memory_space<vmem>> -> memref<256xi32, #tpu.memory_space<vmem>>
      %dma_wait3A_198 = arith.constant 0 : i32
      %dma_wait3A_199 = arith.constant 0 : i32
      %dma_wait3A_200 = tpu.memref_slice %arg4[%dma_wait3A_198, %dma_wait3A_199] : memref<10240x64xf32, #tpu.memory_space<hbm>> -> memref<10240x64xf32, #tpu.memory_space<hbm>>
      tpu.wait_indirect_dma semaphore(%arg14 : memref<!tpu.dma_semaphore, #tpu.memory_space<semaphore_mem>>) src(%dma_wait3A_200 : memref<10240x64xf32, #tpu.memory_space<hbm>>) dst(%dma_wait3A_194 : memref<256x64xf32, #tpu.memory_space<vmem>>)
      %dma_start3A_201 = arith.constant 3 : i32
      %dma_start3A_202 = arith.constant 0 : i32
      %dma_start3A_203 = arith.constant 0 : i32
      %dma_start3A_204 = tpu.memref_slice %arg9[%dma_start3A_201, %dma_start3A_202, %dma_start3A_203] : memref<4x256x64xf32, #tpu.memory_space<vmem>> -> memref<1x256x64xf32, #tpu.memory_space<vmem>>
      %dma_start3A_205 = tpu.memref_squeeze %dma_start3A_204 : memref<1x256x64xf32, #tpu.memory_space<vmem>> -> memref<256x64xf32, #tpu.memory_space<vmem>>
      %dma_start3A_206 = arith.constant 0 : i32
      %dma_start3A_207 = tpu.memref_slice %arg7[%add3A_188, %dma_start3A_206] : memref<40x256xi32, #tpu.memory_space<vmem>> -> memref<1x256xi32, #tpu.memory_space<vmem>>
      %dma_start3A_208 = tpu.memref_squeeze %dma_start3A_207 : memref<1x256xi32, #tpu.memory_space<vmem>> -> memref<256xi32, #tpu.memory_space<vmem>>
      %dma_start3A_209 = arith.constant 0 : i32
      %dma_start3A_210 = arith.constant 0 : i32
      %dma_start3A_211 = tpu.memref_slice %arg10[%dma_start3A_209, %dma_start3A_210] : memref<10240x64xf32, #tpu.memory_space<vmem_shared>> -> memref<10240x64xf32, #tpu.memory_space<vmem_shared>>
      tpu.enqueue_indirect_dma source(%dma_start3A_205 : memref<256x64xf32, #tpu.memory_space<vmem>>) target(%dma_start3A_211 : memref<10240x64xf32, #tpu.memory_space<vmem_shared>>) offsets(%dma_start3A_208 : memref<256xi32, #tpu.memory_space<vmem>>) semaphore(%arg18 : memref<!tpu.dma_semaphore, #tpu.memory_space<semaphore_mem>>) {add = true}
      %mul3A_212 = arith.constant 4 : i32
      %mul3A_213 = arith.muli %scan3A_103, %mul3A_212 : i32
      %add3A_214 = arith.constant 0 : i32
      %add3A_215 = arith.addi %mul3A_213, %add3A_214 : i32
      %add3A_216 = arith.constant 4 : i32
      %add3A_217 = arith.addi %add3A_215, %add3A_216 : i32
      %lt3A = arith.constant 40 : i32
      %lt3A_218 = arith.cmpi slt, %add3A_217, %lt3A : i32
      %convert_element_type3A = arith.extui %lt3A_218 : i1 to i32
      %cond3A = arith.constant 0 : i32
      %cond3A_219 = arith.cmpi ne, %convert_element_type3A, %cond3A : i32
      scf.if %cond3A_219 {
        %dma_wait3A_253 = arith.constant 0 : i32
        %dma_wait3A_254 = arith.constant 0 : i32
        %dma_wait3A_255 = arith.constant 0 : i32
        %dma_wait3A_256 = arith.constant 0 : i32
        %dma_wait3A_257 = tpu.memref_slice %arg9[%dma_wait3A_253, %dma_wait3A_255, %dma_wait3A_256] : memref<4x256x64xf32, #tpu.memory_space<vmem>> -> memref<1x256x64xf32, #tpu.memory_space<vmem>>
        %dma_wait3A_258 = tpu.memref_squeeze %dma_wait3A_257 : memref<1x256x64xf32, #tpu.memory_space<vmem>> -> memref<256x64xf32, #tpu.memory_space<vmem>>
        %dma_wait3A_259 = arith.constant 0 : i32
        %dma_wait3A_260 = tpu.memref_slice %arg7[%dma_wait3A_254, %dma_wait3A_259] : memref<40x256xi32, #tpu.memory_space<vmem>> -> memref<1x256xi32, #tpu.memory_space<vmem>>
        %dma_wait3A_261 = tpu.memref_squeeze %dma_wait3A_260 : memref<1x256xi32, #tpu.memory_space<vmem>> -> memref<256xi32, #tpu.memory_space<vmem>>
        %dma_wait3A_262 = arith.constant 0 : i32
        %dma_wait3A_263 = arith.constant 0 : i32
        %dma_wait3A_264 = tpu.memref_slice %arg10[%dma_wait3A_262, %dma_wait3A_263] : memref<10240x64xf32, #tpu.memory_space<vmem_shared>> -> memref<10240x64xf32, #tpu.memory_space<vmem_shared>>
        tpu.wait_indirect_dma semaphore(%arg15 : memref<!tpu.dma_semaphore, #tpu.memory_space<semaphore_mem>>) src(%dma_wait3A_258 : memref<256x64xf32, #tpu.memory_space<vmem>>) dst(%dma_wait3A_264 : memref<10240x64xf32, #tpu.memory_space<vmem_shared>>)
        %add3A_265 = arith.constant 4 : i32
        %add3A_266 = arith.addi %add3A_215, %add3A_265 : i32
        %dma_start3A_267 = arith.constant 0 : i32
        %dma_start3A_268 = arith.constant 0 : i32
        %dma_start3A_269 = arith.constant 0 : i32
        %dma_start3A_270 = tpu.memref_slice %arg9[%dma_start3A_267, %dma_start3A_268, %dma_start3A_269] : memref<4x256x64xf32, #tpu.memory_space<vmem>> -> memref<1x256x64xf32, #tpu.memory_space<vmem>>
        %dma_start3A_271 = tpu.memref_squeeze %dma_start3A_270 : memref<1x256x64xf32, #tpu.memory_space<vmem>> -> memref<256x64xf32, #tpu.memory_space<vmem>>
        %dma_start3A_272 = arith.constant 0 : i32
        %dma_start3A_273 = tpu.memref_slice %arg8[%add3A_266, %dma_start3A_272] : memref<40x256xi32, #tpu.memory_space<vmem>> -> memref<1x256xi32, #tpu.memory_space<vmem>>
        %dma_start3A_274 = tpu.memref_squeeze %dma_start3A_273 : memref<1x256xi32, #tpu.memory_space<vmem>> -> memref<256xi32, #tpu.memory_space<vmem>>
        %dma_start3A_275 = arith.constant 0 : i32
        %dma_start3A_276 = arith.constant 0 : i32
        %dma_start3A_277 = tpu.memref_slice %arg4[%dma_start3A_275, %dma_start3A_276] : memref<10240x64xf32, #tpu.memory_space<hbm>> -> memref<10240x64xf32, #tpu.memory_space<hbm>>
        tpu.enqueue_indirect_dma source(%dma_start3A_277 : memref<10240x64xf32, #tpu.memory_space<hbm>>) target(%dma_start3A_271 : memref<256x64xf32, #tpu.memory_space<vmem>>) offsets(%dma_start3A_274 : memref<256xi32, #tpu.memory_space<vmem>>) semaphore(%arg11 : memref<!tpu.dma_semaphore, #tpu.memory_space<semaphore_mem>>)
      } else {
      }
      %mul3A_220 = arith.constant 4 : i32
      %mul3A_221 = arith.muli %scan3A_103, %mul3A_220 : i32
      %add3A_222 = arith.constant 1 : i32
      %add3A_223 = arith.addi %mul3A_221, %add3A_222 : i32
      %add3A_224 = arith.constant 4 : i32
      %add3A_225 = arith.addi %add3A_223, %add3A_224 : i32
      %lt3A_226 = arith.constant 40 : i32
      %lt3A_227 = arith.cmpi slt, %add3A_225, %lt3A_226 : i32
      %convert_element_type3A_228 = arith.extui %lt3A_227 : i1 to i32
      %cond3A_229 = arith.constant 0 : i32
      %cond3A_230 = arith.cmpi ne, %convert_element_type3A_228, %cond3A_229 : i32
      scf.if %cond3A_230 {
        %dma_wait3A_253 = arith.constant 1 : i32
        %dma_wait3A_254 = arith.constant 0 : i32
        %dma_wait3A_255 = arith.constant 0 : i32
        %dma_wait3A_256 = arith.constant 0 : i32
        %dma_wait3A_257 = tpu.memref_slice %arg9[%dma_wait3A_253, %dma_wait3A_255, %dma_wait3A_256] : memref<4x256x64xf32, #tpu.memory_space<vmem>> -> memref<1x256x64xf32, #tpu.memory_space<vmem>>
        %dma_wait3A_258 = tpu.memref_squeeze %dma_wait3A_257 : memref<1x256x64xf32, #tpu.memory_space<vmem>> -> memref<256x64xf32, #tpu.memory_space<vmem>>
        %dma_wait3A_259 = arith.constant 0 : i32
        %dma_wait3A_260 = tpu.memref_slice %arg7[%dma_wait3A_254, %dma_wait3A_259] : memref<40x256xi32, #tpu.memory_space<vmem>> -> memref<1x256xi32, #tpu.memory_space<vmem>>
        %dma_wait3A_261 = tpu.memref_squeeze %dma_wait3A_260 : memref<1x256xi32, #tpu.memory_space<vmem>> -> memref<256xi32, #tpu.memory_space<vmem>>
        %dma_wait3A_262 = arith.constant 0 : i32
        %dma_wait3A_263 = arith.constant 0 : i32
        %dma_wait3A_264 = tpu.memref_slice %arg10[%dma_wait3A_262, %dma_wait3A_263] : memref<10240x64xf32, #tpu.memory_space<vmem_shared>> -> memref<10240x64xf32, #tpu.memory_space<vmem_shared>>
        tpu.wait_indirect_dma semaphore(%arg16 : memref<!tpu.dma_semaphore, #tpu.memory_space<semaphore_mem>>) src(%dma_wait3A_258 : memref<256x64xf32, #tpu.memory_space<vmem>>) dst(%dma_wait3A_264 : memref<10240x64xf32, #tpu.memory_space<vmem_shared>>)
        %add3A_265 = arith.constant 4 : i32
        %add3A_266 = arith.addi %add3A_223, %add3A_265 : i32
        %dma_start3A_267 = arith.constant 1 : i32
        %dma_start3A_268 = arith.constant 0 : i32
        %dma_start3A_269 = arith.constant 0 : i32
        %dma_start3A_270 = tpu.memref_slice %arg9[%dma_start3A_267, %dma_start3A_268, %dma_start3A_269] : memref<4x256x64xf32, #tpu.memory_space<vmem>> -> memref<1x256x64xf32, #tpu.memory_space<vmem>>
        %dma_start3A_271 = tpu.memref_squeeze %dma_start3A_270 : memref<1x256x64xf32, #tpu.memory_space<vmem>> -> memref<256x64xf32, #tpu.memory_space<vmem>>
        %dma_start3A_272 = arith.constant 0 : i32
        %dma_start3A_273 = tpu.memref_slice %arg8[%add3A_266, %dma_start3A_272] : memref<40x256xi32, #tpu.memory_space<vmem>> -> memref<1x256xi32, #tpu.memory_space<vmem>>
        %dma_start3A_274 = tpu.memref_squeeze %dma_start3A_273 : memref<1x256xi32, #tpu.memory_space<vmem>> -> memref<256xi32, #tpu.memory_space<vmem>>
        %dma_start3A_275 = arith.constant 0 : i32
        %dma_start3A_276 = arith.constant 0 : i32
        %dma_start3A_277 = tpu.memref_slice %arg4[%dma_start3A_275, %dma_start3A_276] : memref<10240x64xf32, #tpu.memory_space<hbm>> -> memref<10240x64xf32, #tpu.memory_space<hbm>>
        tpu.enqueue_indirect_dma source(%dma_start3A_277 : memref<10240x64xf32, #tpu.memory_space<hbm>>) target(%dma_start3A_271 : memref<256x64xf32, #tpu.memory_space<vmem>>) offsets(%dma_start3A_274 : memref<256xi32, #tpu.memory_space<vmem>>) semaphore(%arg12 : memref<!tpu.dma_semaphore, #tpu.memory_space<semaphore_mem>>)
      } else {
      }
      %mul3A_231 = arith.constant 4 : i32
      %mul3A_232 = arith.muli %scan3A_103, %mul3A_231 : i32
      %add3A_233 = arith.constant 2 : i32
      %add3A_234 = arith.addi %mul3A_232, %add3A_233 : i32
      %add3A_235 = arith.constant 4 : i32
      %add3A_236 = arith.addi %add3A_234, %add3A_235 : i32
      %lt3A_237 = arith.constant 40 : i32
      %lt3A_238 = arith.cmpi slt, %add3A_236, %lt3A_237 : i32
      %convert_element_type3A_239 = arith.extui %lt3A_238 : i1 to i32
      %cond3A_240 = arith.constant 0 : i32
      %cond3A_241 = arith.cmpi ne, %convert_element_type3A_239, %cond3A_240 : i32
      scf.if %cond3A_241 {
        %dma_wait3A_253 = arith.constant 2 : i32
        %dma_wait3A_254 = arith.constant 0 : i32
        %dma_wait3A_255 = arith.constant 0 : i32
        %dma_wait3A_256 = arith.constant 0 : i32
        %dma_wait3A_257 = tpu.memref_slice %arg9[%dma_wait3A_253, %dma_wait3A_255, %dma_wait3A_256] : memref<4x256x64xf32, #tpu.memory_space<vmem>> -> memref<1x256x64xf32, #tpu.memory_space<vmem>>
        %dma_wait3A_258 = tpu.memref_squeeze %dma_wait3A_257 : memref<1x256x64xf32, #tpu.memory_space<vmem>> -> memref<256x64xf32, #tpu.memory_space<vmem>>
        %dma_wait3A_259 = arith.constant 0 : i32
        %dma_wait3A_260 = tpu.memref_slice %arg7[%dma_wait3A_254, %dma_wait3A_259] : memref<40x256xi32, #tpu.memory_space<vmem>> -> memref<1x256xi32, #tpu.memory_space<vmem>>
        %dma_wait3A_261 = tpu.memref_squeeze %dma_wait3A_260 : memref<1x256xi32, #tpu.memory_space<vmem>> -> memref<256xi32, #tpu.memory_space<vmem>>
        %dma_wait3A_262 = arith.constant 0 : i32
        %dma_wait3A_263 = arith.constant 0 : i32
        %dma_wait3A_264 = tpu.memref_slice %arg10[%dma_wait3A_262, %dma_wait3A_263] : memref<10240x64xf32, #tpu.memory_space<vmem_shared>> -> memref<10240x64xf32, #tpu.memory_space<vmem_shared>>
        tpu.wait_indirect_dma semaphore(%arg17 : memref<!tpu.dma_semaphore, #tpu.memory_space<semaphore_mem>>) src(%dma_wait3A_258 : memref<256x64xf32, #tpu.memory_space<vmem>>) dst(%dma_wait3A_264 : memref<10240x64xf32, #tpu.memory_space<vmem_shared>>)
        %add3A_265 = arith.constant 4 : i32
        %add3A_266 = arith.addi %add3A_234, %add3A_265 : i32
        %dma_start3A_267 = arith.constant 2 : i32
        %dma_start3A_268 = arith.constant 0 : i32
        %dma_start3A_269 = arith.constant 0 : i32
        %dma_start3A_270 = tpu.memref_slice %arg9[%dma_start3A_267, %dma_start3A_268, %dma_start3A_269] : memref<4x256x64xf32, #tpu.memory_space<vmem>> -> memref<1x256x64xf32, #tpu.memory_space<vmem>>
        %dma_start3A_271 = tpu.memref_squeeze %dma_start3A_270 : memref<1x256x64xf32, #tpu.memory_space<vmem>> -> memref<256x64xf32, #tpu.memory_space<vmem>>
        %dma_start3A_272 = arith.constant 0 : i32
        %dma_start3A_273 = tpu.memref_slice %arg8[%add3A_266, %dma_start3A_272] : memref<40x256xi32, #tpu.memory_space<vmem>> -> memref<1x256xi32, #tpu.memory_space<vmem>>
        %dma_start3A_274 = tpu.memref_squeeze %dma_start3A_273 : memref<1x256xi32, #tpu.memory_space<vmem>> -> memref<256xi32, #tpu.memory_space<vmem>>
        %dma_start3A_275 = arith.constant 0 : i32
        %dma_start3A_276 = arith.constant 0 : i32
        %dma_start3A_277 = tpu.memref_slice %arg4[%dma_start3A_275, %dma_start3A_276] : memref<10240x64xf32, #tpu.memory_space<hbm>> -> memref<10240x64xf32, #tpu.memory_space<hbm>>
        tpu.enqueue_indirect_dma source(%dma_start3A_277 : memref<10240x64xf32, #tpu.memory_space<hbm>>) target(%dma_start3A_271 : memref<256x64xf32, #tpu.memory_space<vmem>>) offsets(%dma_start3A_274 : memref<256xi32, #tpu.memory_space<vmem>>) semaphore(%arg13 : memref<!tpu.dma_semaphore, #tpu.memory_space<semaphore_mem>>)
      } else {
      }
      %mul3A_242 = arith.constant 4 : i32
      %mul3A_243 = arith.muli %scan3A_103, %mul3A_242 : i32
      %add3A_244 = arith.constant 3 : i32
      %add3A_245 = arith.addi %mul3A_243, %add3A_244 : i32
      %add3A_246 = arith.constant 4 : i32
      %add3A_247 = arith.addi %add3A_245, %add3A_246 : i32
      %lt3A_248 = arith.constant 40 : i32
      %lt3A_249 = arith.cmpi slt, %add3A_247, %lt3A_248 : i32
      %convert_element_type3A_250 = arith.extui %lt3A_249 : i1 to i32
      %cond3A_251 = arith.constant 0 : i32
      %cond3A_252 = arith.cmpi ne, %convert_element_type3A_250, %cond3A_251 : i32
      scf.if %cond3A_252 {
        %dma_wait3A_253 = arith.constant 3 : i32
        %dma_wait3A_254 = arith.constant 0 : i32
        %dma_wait3A_255 = arith.constant 0 : i32
        %dma_wait3A_256 = arith.constant 0 : i32
        %dma_wait3A_257 = tpu.memref_slice %arg9[%dma_wait3A_253, %dma_wait3A_255, %dma_wait3A_256] : memref<4x256x64xf32, #tpu.memory_space<vmem>> -> memref<1x256x64xf32, #tpu.memory_space<vmem>>
        %dma_wait3A_258 = tpu.memref_squeeze %dma_wait3A_257 : memref<1x256x64xf32, #tpu.memory_space<vmem>> -> memref<256x64xf32, #tpu.memory_space<vmem>>
        %dma_wait3A_259 = arith.constant 0 : i32
        %dma_wait3A_260 = tpu.memref_slice %arg7[%dma_wait3A_254, %dma_wait3A_259] : memref<40x256xi32, #tpu.memory_space<vmem>> -> memref<1x256xi32, #tpu.memory_space<vmem>>
        %dma_wait3A_261 = tpu.memref_squeeze %dma_wait3A_260 : memref<1x256xi32, #tpu.memory_space<vmem>> -> memref<256xi32, #tpu.memory_space<vmem>>
        %dma_wait3A_262 = arith.constant 0 : i32
        %dma_wait3A_263 = arith.constant 0 : i32
        %dma_wait3A_264 = tpu.memref_slice %arg10[%dma_wait3A_262, %dma_wait3A_263] : memref<10240x64xf32, #tpu.memory_space<vmem_shared>> -> memref<10240x64xf32, #tpu.memory_space<vmem_shared>>
        tpu.wait_indirect_dma semaphore(%arg18 : memref<!tpu.dma_semaphore, #tpu.memory_space<semaphore_mem>>) src(%dma_wait3A_258 : memref<256x64xf32, #tpu.memory_space<vmem>>) dst(%dma_wait3A_264 : memref<10240x64xf32, #tpu.memory_space<vmem_shared>>)
        %add3A_265 = arith.constant 4 : i32
        %add3A_266 = arith.addi %add3A_245, %add3A_265 : i32
        %dma_start3A_267 = arith.constant 3 : i32
        %dma_start3A_268 = arith.constant 0 : i32
        %dma_start3A_269 = arith.constant 0 : i32
        %dma_start3A_270 = tpu.memref_slice %arg9[%dma_start3A_267, %dma_start3A_268, %dma_start3A_269] : memref<4x256x64xf32, #tpu.memory_space<vmem>> -> memref<1x256x64xf32, #tpu.memory_space<vmem>>
        %dma_start3A_271 = tpu.memref_squeeze %dma_start3A_270 : memref<1x256x64xf32, #tpu.memory_space<vmem>> -> memref<256x64xf32, #tpu.memory_space<vmem>>
        %dma_start3A_272 = arith.constant 0 : i32
        %dma_start3A_273 = tpu.memref_slice %arg8[%add3A_266, %dma_start3A_272] : memref<40x256xi32, #tpu.memory_space<vmem>> -> memref<1x256xi32, #tpu.memory_space<vmem>>
        %dma_start3A_274 = tpu.memref_squeeze %dma_start3A_273 : memref<1x256xi32, #tpu.memory_space<vmem>> -> memref<256xi32, #tpu.memory_space<vmem>>
        %dma_start3A_275 = arith.constant 0 : i32
        %dma_start3A_276 = arith.constant 0 : i32
        %dma_start3A_277 = tpu.memref_slice %arg4[%dma_start3A_275, %dma_start3A_276] : memref<10240x64xf32, #tpu.memory_space<hbm>> -> memref<10240x64xf32, #tpu.memory_space<hbm>>
        tpu.enqueue_indirect_dma source(%dma_start3A_277 : memref<10240x64xf32, #tpu.memory_space<hbm>>) target(%dma_start3A_271 : memref<256x64xf32, #tpu.memory_space<vmem>>) offsets(%dma_start3A_274 : memref<256xi32, #tpu.memory_space<vmem>>) semaphore(%arg14 : memref<!tpu.dma_semaphore, #tpu.memory_space<semaphore_mem>>)
      } else {
      }
    }
    %scan3A_54 = arith.constant 10 : i32
    %dma_wait3A = arith.constant 0 : i32
    %dma_wait3A_55 = arith.constant 0 : i32
    %dma_wait3A_56 = arith.constant 0 : i32
    %dma_wait3A_57 = arith.constant 0 : i32
    %dma_wait3A_58 = tpu.memref_slice %arg9[%dma_wait3A, %dma_wait3A_56, %dma_wait3A_57] : memref<4x256x64xf32, #tpu.memory_space<vmem>> -> memref<1x256x64xf32, #tpu.memory_space<vmem>>
    %dma_wait3A_59 = tpu.memref_squeeze %dma_wait3A_58 : memref<1x256x64xf32, #tpu.memory_space<vmem>> -> memref<256x64xf32, #tpu.memory_space<vmem>>
    %dma_wait3A_60 = arith.constant 0 : i32
    %dma_wait3A_61 = tpu.memref_slice %arg7[%dma_wait3A_55, %dma_wait3A_60] : memref<40x256xi32, #tpu.memory_space<vmem>> -> memref<1x256xi32, #tpu.memory_space<vmem>>
    %dma_wait3A_62 = tpu.memref_squeeze %dma_wait3A_61 : memref<1x256xi32, #tpu.memory_space<vmem>> -> memref<256xi32, #tpu.memory_space<vmem>>
    %dma_wait3A_63 = arith.constant 0 : i32
    %dma_wait3A_64 = arith.constant 0 : i32
    %dma_wait3A_65 = tpu.memref_slice %arg10[%dma_wait3A_63, %dma_wait3A_64] : memref<10240x64xf32, #tpu.memory_space<vmem_shared>> -> memref<10240x64xf32, #tpu.memory_space<vmem_shared>>
    tpu.wait_indirect_dma semaphore(%arg15 : memref<!tpu.dma_semaphore, #tpu.memory_space<semaphore_mem>>) src(%dma_wait3A_59 : memref<256x64xf32, #tpu.memory_space<vmem>>) dst(%dma_wait3A_65 : memref<10240x64xf32, #tpu.memory_space<vmem_shared>>)
    %dma_wait3A_66 = arith.constant 1 : i32
    %dma_wait3A_67 = arith.constant 0 : i32
    %dma_wait3A_68 = arith.constant 0 : i32
    %dma_wait3A_69 = arith.constant 0 : i32
    %dma_wait3A_70 = tpu.memref_slice %arg9[%dma_wait3A_66, %dma_wait3A_68, %dma_wait3A_69] : memref<4x256x64xf32, #tpu.memory_space<vmem>> -> memref<1x256x64xf32, #tpu.memory_space<vmem>>
    %dma_wait3A_71 = tpu.memref_squeeze %dma_wait3A_70 : memref<1x256x64xf32, #tpu.memory_space<vmem>> -> memref<256x64xf32, #tpu.memory_space<vmem>>
    %dma_wait3A_72 = arith.constant 0 : i32
    %dma_wait3A_73 = tpu.memref_slice %arg7[%dma_wait3A_67, %dma_wait3A_72] : memref<40x256xi32, #tpu.memory_space<vmem>> -> memref<1x256xi32, #tpu.memory_space<vmem>>
    %dma_wait3A_74 = tpu.memref_squeeze %dma_wait3A_73 : memref<1x256xi32, #tpu.memory_space<vmem>> -> memref<256xi32, #tpu.memory_space<vmem>>
    %dma_wait3A_75 = arith.constant 0 : i32
    %dma_wait3A_76 = arith.constant 0 : i32
    %dma_wait3A_77 = tpu.memref_slice %arg10[%dma_wait3A_75, %dma_wait3A_76] : memref<10240x64xf32, #tpu.memory_space<vmem_shared>> -> memref<10240x64xf32, #tpu.memory_space<vmem_shared>>
    tpu.wait_indirect_dma semaphore(%arg16 : memref<!tpu.dma_semaphore, #tpu.memory_space<semaphore_mem>>) src(%dma_wait3A_71 : memref<256x64xf32, #tpu.memory_space<vmem>>) dst(%dma_wait3A_77 : memref<10240x64xf32, #tpu.memory_space<vmem_shared>>)
    %dma_wait3A_78 = arith.constant 2 : i32
    %dma_wait3A_79 = arith.constant 0 : i32
    %dma_wait3A_80 = arith.constant 0 : i32
    %dma_wait3A_81 = arith.constant 0 : i32
    %dma_wait3A_82 = tpu.memref_slice %arg9[%dma_wait3A_78, %dma_wait3A_80, %dma_wait3A_81] : memref<4x256x64xf32, #tpu.memory_space<vmem>> -> memref<1x256x64xf32, #tpu.memory_space<vmem>>
    %dma_wait3A_83 = tpu.memref_squeeze %dma_wait3A_82 : memref<1x256x64xf32, #tpu.memory_space<vmem>> -> memref<256x64xf32, #tpu.memory_space<vmem>>
    %dma_wait3A_84 = arith.constant 0 : i32
    %dma_wait3A_85 = tpu.memref_slice %arg7[%dma_wait3A_79, %dma_wait3A_84] : memref<40x256xi32, #tpu.memory_space<vmem>> -> memref<1x256xi32, #tpu.memory_space<vmem>>
    %dma_wait3A_86 = tpu.memref_squeeze %dma_wait3A_85 : memref<1x256xi32, #tpu.memory_space<vmem>> -> memref<256xi32, #tpu.memory_space<vmem>>
    %dma_wait3A_87 = arith.constant 0 : i32
    %dma_wait3A_88 = arith.constant 0 : i32
    %dma_wait3A_89 = tpu.memref_slice %arg10[%dma_wait3A_87, %dma_wait3A_88] : memref<10240x64xf32, #tpu.memory_space<vmem_shared>> -> memref<10240x64xf32, #tpu.memory_space<vmem_shared>>
    tpu.wait_indirect_dma semaphore(%arg17 : memref<!tpu.dma_semaphore, #tpu.memory_space<semaphore_mem>>) src(%dma_wait3A_83 : memref<256x64xf32, #tpu.memory_space<vmem>>) dst(%dma_wait3A_89 : memref<10240x64xf32, #tpu.memory_space<vmem_shared>>)
    %dma_wait3A_90 = arith.constant 3 : i32
    %dma_wait3A_91 = arith.constant 0 : i32
    %dma_wait3A_92 = arith.constant 0 : i32
    %dma_wait3A_93 = arith.constant 0 : i32
    %dma_wait3A_94 = tpu.memref_slice %arg9[%dma_wait3A_90, %dma_wait3A_92, %dma_wait3A_93] : memref<4x256x64xf32, #tpu.memory_space<vmem>> -> memref<1x256x64xf32, #tpu.memory_space<vmem>>
    %dma_wait3A_95 = tpu.memref_squeeze %dma_wait3A_94 : memref<1x256x64xf32, #tpu.memory_space<vmem>> -> memref<256x64xf32, #tpu.memory_space<vmem>>
    %dma_wait3A_96 = arith.constant 0 : i32
    %dma_wait3A_97 = tpu.memref_slice %arg7[%dma_wait3A_91, %dma_wait3A_96] : memref<40x256xi32, #tpu.memory_space<vmem>> -> memref<1x256xi32, #tpu.memory_space<vmem>>
    %dma_wait3A_98 = tpu.memref_squeeze %dma_wait3A_97 : memref<1x256xi32, #tpu.memory_space<vmem>> -> memref<256xi32, #tpu.memory_space<vmem>>
    %dma_wait3A_99 = arith.constant 0 : i32
    %dma_wait3A_100 = arith.constant 0 : i32
    %dma_wait3A_101 = tpu.memref_slice %arg10[%dma_wait3A_99, %dma_wait3A_100] : memref<10240x64xf32, #tpu.memory_space<vmem_shared>> -> memref<10240x64xf32, #tpu.memory_space<vmem_shared>>
    tpu.wait_indirect_dma semaphore(%arg18 : memref<!tpu.dma_semaphore, #tpu.memory_space<semaphore_mem>>) src(%dma_wait3A_95 : memref<256x64xf32, #tpu.memory_space<vmem>>) dst(%dma_wait3A_101 : memref<10240x64xf32, #tpu.memory_space<vmem_shared>>)
    %barrier3A_102 = arith.constant 0 : index
    tpu.barrier barrier_id(%barrier3A_102)
    "tpu.region"() ({
      %run_scoped3A = tpu.sem_alloc : memref<!tpu.dma_semaphore, #tpu.memory_space<semaphore_mem>>
      %dma_start3A_103 = arith.constant 0 : i32
      %dma_start3A_104 = tpu.memref_slice %arg6[%arg0, %mul3A_2, %dma_start3A_103] : memref<2x10240x64xf32, #tpu.memory_space<hbm>> -> memref<1x640x64xf32, #tpu.memory_space<hbm>>
      %dma_start3A_105 = tpu.memref_squeeze %dma_start3A_104 : memref<1x640x64xf32, #tpu.memory_space<hbm>> -> memref<640x64xf32, #tpu.memory_space<hbm>>
      %dma_start3A_106 = arith.constant 0 : i32
      %dma_start3A_107 = tpu.memref_slice %arg10[%mul3A_2, %dma_start3A_106] : memref<10240x64xf32, #tpu.memory_space<vmem_shared>> -> memref<640x64xf32, #tpu.memory_space<vmem_shared>>
      tpu.enqueue_dma source(%dma_start3A_107 : memref<640x64xf32, #tpu.memory_space<vmem_shared>>) target(%dma_start3A_105 : memref<640x64xf32, #tpu.memory_space<hbm>>) target_semaphore(%run_scoped3A : memref<!tpu.dma_semaphore, #tpu.memory_space<semaphore_mem>>)
      %dma_wait3A_108 = arith.constant 0 : i32
      %dma_wait3A_109 = tpu.memref_slice %arg6[%arg0, %mul3A_2, %dma_wait3A_108] : memref<2x10240x64xf32, #tpu.memory_space<hbm>> -> memref<1x640x64xf32, #tpu.memory_space<hbm>>
      %dma_wait3A_110 = tpu.memref_squeeze %dma_wait3A_109 : memref<1x640x64xf32, #tpu.memory_space<hbm>> -> memref<640x64xf32, #tpu.memory_space<hbm>>
      %dma_wait3A_111 = arith.constant 0 : i32
      %dma_wait3A_112 = tpu.memref_slice %arg10[%mul3A_2, %dma_wait3A_111] : memref<10240x64xf32, #tpu.memory_space<vmem_shared>> -> memref<640x64xf32, #tpu.memory_space<vmem_shared>>
      tpu.wait_dma2 semaphore(%run_scoped3A : memref<!tpu.dma_semaphore, #tpu.memory_space<semaphore_mem>>) src(%dma_wait3A_112 : memref<640x64xf32, #tpu.memory_space<vmem_shared>>) dst(%dma_wait3A_110 : memref<640x64xf32, #tpu.memory_space<hbm>>)
      tpu.yield
    }) : () -> ()
    return
  }
}

module attributes {stable_mosaic.version = 14 : i64} {
  func.func @_k3_body(%arg0: memref<2x10240x64xf32, #tpu.memory_space<vmem>>, %arg1: memref<10240x64xf32, #tpu.memory_space<vmem>>, %arg2: memref<10240x1xf32, #tpu.memory_space<vmem>>, %arg3: memref<10240x1xf32, #tpu.memory_space<vmem>>, %arg4: memref<10240x128xf32, #tpu.memory_space<vmem>>, %arg5: memref<128x128xf32, #tpu.memory_space<vmem>>, %arg6: memref<128x128xf32, #tpu.memory_space<vmem>>, %arg7: memref<1x128xf32, #tpu.memory_space<vmem>>, %arg8: memref<64x128xf32, #tpu.memory_space<vmem>>, %arg9: memref<64x128xf32, #tpu.memory_space<vmem>>, %arg10: memref<64x256xf32, #tpu.memory_space<vmem>>) attributes {dimension_semantics = [], scalar_prefetch = 0 : i64, scratch_operands = 0 : i64, tpu.core_type = #tpu.core_type<tc>} {
    %get3A = arith.constant 0 : index
    %get3A_0 = arith.constant 0 : index
    %get3A_1 = vector.load %arg2[%get3A, %get3A_0] : memref<10240x1xf32, #tpu.memory_space<vmem>>, vector<10240x1xf32>
    %get3A_2 = arith.constant 0 : index
    %get3A_3 = arith.constant 0 : index
    %get3A_4 = vector.load %arg1[%get3A_2, %get3A_3] : memref<10240x64xf32, #tpu.memory_space<vmem>>, vector<10240x64xf32>
    %get3A_5 = arith.constant 0 : index
    %get3A_6 = arith.constant 0 : index
    %get3A_7 = arith.constant 0 : index
    %get3A_8 = vector.load %arg0[%get3A_5, %get3A_6, %get3A_7] : memref<2x10240x64xf32, #tpu.memory_space<vmem>>, vector<1x10240x64xf32>
    %get3A_9 = vector.shape_cast %get3A_8 : vector<1x10240x64xf32> to vector<10240x64xf32>
    %get3A_10 = arith.constant 1 : index
    %get3A_11 = arith.constant 0 : index
    %get3A_12 = arith.constant 0 : index
    %get3A_13 = vector.load %arg0[%get3A_10, %get3A_11, %get3A_12] : memref<2x10240x64xf32, #tpu.memory_space<vmem>>, vector<1x10240x64xf32>
    %get3A_14 = vector.shape_cast %get3A_13 : vector<1x10240x64xf32> to vector<10240x64xf32>
    %add3A = arith.addf %get3A_9, %get3A_14 : vector<10240x64xf32>
    %add3A_15 = arith.addf %add3A, %get3A_4 : vector<10240x64xf32>
    %mul3A = vector.broadcast %get3A_1 : vector<10240x1xf32> to vector<10240x64xf32>
    %mul3A_16 = arith.mulf %add3A_15, %mul3A : vector<10240x64xf32>
    %get3A_17 = arith.constant 0 : index
    %get3A_18 = arith.constant 0 : index
    %get3A_19 = vector.load %arg3[%get3A_17, %get3A_18] : memref<10240x1xf32, #tpu.memory_space<vmem>>, vector<10240x1xf32>
    %mul3A_20 = vector.broadcast %get3A_19 : vector<10240x1xf32> to vector<10240x64xf32>
    %mul3A_21 = arith.mulf %get3A_4, %mul3A_20 : vector<10240x64xf32>
    %mul3A_22 = vector.broadcast %get3A_1 : vector<10240x1xf32> to vector<10240x64xf32>
    %mul3A_23 = arith.mulf %mul3A_21, %mul3A_22 : vector<10240x64xf32>
    %get3A_24 = arith.constant 0 : index
    %get3A_25 = arith.constant 0 : index
    %get3A_26 = vector.load %arg4[%get3A_24, %get3A_25] : memref<10240x128xf32, #tpu.memory_space<vmem>>, vector<10240x128xf32>
    %dot_general3A = arith.constant dense<0.000000e+00> : vector<64x128xf32>
    %dot_general3A_27 = tpu.matmul %mul3A_16, %get3A_26, %dot_general3A {dimension_numbers = #tpu.dot_dimension_numbers<[0], [0], [1], [1], [0, 1, 1, 1], [], []>, transpose_lhs_hint = false} : vector<10240x64xf32>, vector<10240x128xf32>, vector<64x128xf32> -> vector<64x128xf32>
    %reduce_sum3A = arith.constant dense<0.000000e+00> : vector<64xf32>
    %reduce_sum3A_28 = vector.multi_reduction <add>, %mul3A_23, %reduce_sum3A [0] : vector<10240x64xf32> to vector<64xf32>
    %reshape3A = vector.shape_cast %reduce_sum3A_28 : vector<64xf32> to vector<64x1xf32>
    %get3A_29 = arith.constant 0 : index
    %get3A_30 = arith.constant 0 : index
    %get3A_31 = vector.load %arg5[%get3A_29, %get3A_30] : memref<128x128xf32, #tpu.memory_space<vmem>>, vector<128x128xf32>
    %dot_general3A_32 = arith.constant dense<0.000000e+00> : vector<64x128xf32>
    %dot_general3A_33 = tpu.matmul %dot_general3A_27, %get3A_31, %dot_general3A_32 {dimension_numbers = #tpu.dot_dimension_numbers<[1], [0], [0], [1], [0, 0, 1, 1], [], []>, transpose_lhs_hint = false} : vector<64x128xf32>, vector<128x128xf32>, vector<64x128xf32> -> vector<64x128xf32>
    %get3A_34 = arith.constant 0 : index
    %get3A_35 = arith.constant 0 : index
    %get3A_36 = vector.load %arg6[%get3A_34, %get3A_35] : memref<128x128xf32, #tpu.memory_space<vmem>>, vector<128x128xf32>
    %dot_general3A_37 = arith.constant dense<0.000000e+00> : vector<64x128xf32>
    %dot_general3A_38 = tpu.matmul %dot_general3A_33, %get3A_36, %dot_general3A_37 {dimension_numbers = #tpu.dot_dimension_numbers<[1], [0], [0], [1], [0, 0, 1, 1], [], []>, transpose_lhs_hint = false} : vector<64x128xf32>, vector<128x128xf32>, vector<64x128xf32> -> vector<64x128xf32>
    %get3A_39 = arith.constant 0 : index
    %get3A_40 = arith.constant 0 : index
    %get3A_41 = vector.load %arg7[%get3A_39, %get3A_40] : memref<1x128xf32, #tpu.memory_space<vmem>>, vector<1x128xf32>
    %get3A_42 = arith.constant 0 : index
    %get3A_43 = arith.constant 0 : index
    %get3A_44 = vector.load %arg6[%get3A_42, %get3A_43] : memref<128x128xf32, #tpu.memory_space<vmem>>, vector<128x128xf32>
    %dot_general3A_45 = arith.constant dense<0.000000e+00> : vector<1x128xf32>
    %dot_general3A_46 = tpu.matmul %get3A_41, %get3A_44, %dot_general3A_45 {dimension_numbers = #tpu.dot_dimension_numbers<[1], [0], [0], [1], [0, 0, 1, 1], [], []>, transpose_lhs_hint = false} : vector<1x128xf32>, vector<128x128xf32>, vector<1x128xf32> -> vector<1x128xf32>
    %mul3A_47 = vector.broadcast %reshape3A : vector<64x1xf32> to vector<64x128xf32>
    %mul3A_48 = vector.broadcast %dot_general3A_46 : vector<1x128xf32> to vector<64x128xf32>
    %mul3A_49 = arith.mulf %mul3A_47, %mul3A_48 : vector<64x128xf32>
    %add3A_50 = arith.addf %dot_general3A_38, %mul3A_49 : vector<64x128xf32>
    %get3A_51 = arith.constant 0 : index
    %get3A_52 = arith.constant 0 : index
    %get3A_53 = vector.load %arg8[%get3A_51, %get3A_52] : memref<64x128xf32, #tpu.memory_space<vmem>>, vector<64x128xf32>
    %add3A_54 = arith.addf %add3A_50, %get3A_53 : vector<64x128xf32>
    %get3A_55 = arith.constant 0 : index
    %get3A_56 = arith.constant 0 : index
    %get3A_57 = vector.load %arg9[%get3A_55, %get3A_56] : memref<64x128xf32, #tpu.memory_space<vmem>>, vector<64x128xf32>
    %concatenate3A = tpu.concatenate %get3A_57, %add3A_54 in 1 : vector<64x128xf32>, vector<64x128xf32> -> vector<64x256xf32>
    %swap3A = arith.constant 0 : index
    %swap3A_58 = arith.constant 0 : index
    %swap3A_59 = vector.load %arg10[%swap3A, %swap3A_58] : memref<64x256xf32, #tpu.memory_space<vmem>>, vector<64x256xf32>
    tpu.vector_store %arg10[%swap3A, %swap3A_58], %concatenate3A {strides = array<i32>} : memref<64x256xf32, #tpu.memory_space<vmem>>, vector<64x256xf32>,
    return
  }
}

</mosaic_0001>

<sc_bundles>
// kernel: _impl.12.cloned.1.call-start
scs
__scs_entry_jumppad:
0x0: {  	(pc) =	sbr.rel $0x88, $3  }
0x1: {  	(tag) =	ssettag $0x0;
	lr =	simm.s32 $0x1  }
0x2: {  	[smem:$0x3F99] =	sst lr;
	_ =	strace $0xD0000000  }
0x3: {  	_ = 	snop  }
0x4: {  	_ = 	snop  }
0x5: {  	_ = 	snop  }
0x6: {  	_ = 	snop  }
0x7: {  	_ = 	snop  }
__scs_overlays_trampoline_lowered:
0x8: {  	[smem:$0x3FA8] =	sst s0  }
0x9: {  	[smem:$0x3FA9] =	sst s1  }
0xa: {  	[smem:$0x3FAA] =	sst s2  }
0xb: {  	[smem:$0x3FAB] =	sst s3  }
0xc: {  	[smem:$0x3FAC] =	sst s4  }
0xd: {  	[smem:$0x3FAD] =	sst s5  }
0xe: {  	[smem:$0x3FAE] =	sst s6  }
0xf: {  	[smem:$0x3FAF] =	sst s7  }
0x10: {  	[smem:$0x3FB0] =	sst s8  }
0x11: {  	[smem:$0x3FB1] =	sst s9;
	s0 =	simm.s32 @!p0 $0x0  }
0x12: {  	s1 =	sld [smem:$0x3F97];
	s0 =	simm.s32 @p0 $0x1  }
0x13: {  	[smem:$0x3FB2] =	sst s0;
	s0 =	simm.s32 @!p1 $0x0  }
0x14: {  	s2 =	sld [smem:$0x3F96];
	s0 =	simm.s32 @p1 $0x1  }
0x15: {  	[smem:$0x3FB3] =	sst s0;
	s0 =	simm.s32 @!p2 $0x0  }
0x16: {  	s3 =	sld [smem:$0x3FDB];
	s0 =	simm.s32 @p2 $0x1  }
0x17: {  	s4 =	simm.s32 $0x1BF5;
	[smem:$0x3FB5] =	sst s0  }
0x18: {  	s0 =	sld [smem:$0x3F98];
	_ =	swait.ge [sflag:s4], $0x0  }
0x19: {  	s7 =	sld [smem:$0x3F99]  }
0x1a: {  	s8 =	sadd.s32 $0xFFFFE003, lr  }
0x1b: {  	s9 =	sadd.s32 $0xFFFFFEF7, lr;
	s5 =	simm.s32 $0xFFFFFFFF;
	p2 =	slt.u32 s8, $0xFFFFF086  }
0x1c: {  	p1 =	slt.u32 s9, $0xF7A;
	s5 =	simm.s32 @!p2 $0x0  }
0x1d: {  	s5 =	simm.s32 @p1 $0x1;
	p0 =	seq.s32 s7, s2  }
0x1e: {  	s7 =	smul.u32 @!p0 $0xF7A, s2;
	p2 =	seq.s32 @!p0 s5, $0x0  }
0x1f: {  	s9 =	smul.u32 $0xF7A, s1;
	s8 =	simm.s32 @!p0 $0x1BF5;
	p2 =	por !p2, p0  }
0x20: {  	[sflag:s8] =	ssyncset.s32 @!p0 $0xFFFFF086;
	s6 =	sadd.s32 @!p0 s3, s7;
	s7 =	simm.s32 @!p0 $0x108  }
0x21: {  	s3 =	sadd.s32 s3, s9;
	s6 =	sadd.s32 @!p0 $0x88, s6;
	s7 =	simm.s32 @p2 $0x1082  }
0x22: {  	[simem:s7], [sflag:s8] =	dma.local @!p0 [hbm:s6], $0xF7A  }
0x23: {  	s9 =	sor.u32 $0xD0000000, s2;
	s6 =	simm.s32 $0x108;
	_ =	swait.ge @!p0 [sflag:s8], $0x0  }
0x24: {  	s3 =	sadd.s32 $0x88, s3;
	s6 =	simm.s32 @!p1 $0x1082;
	[sflag:s4] =	ssyncset.s32 $0xFFFFF086  }
0x25: {  	[simem:s6], [sflag:s4] =	dma.local [hbm:s3], $0xF7A  }
0x26: {  	[smem:$0x3F99] =	sst s1;
	(tag) =	ssettag s2;
	_ =	strace s9  }
0x27: {  	s1 =	sld [smem:$0x3FA9]  }
0x28: {  	s2 =	sld [smem:$0x3FAA]  }
0x29: {  	s4 =	sld [smem:$0x3FAC]  }
0x2a: {  	p0 =	seq.s32 s5, $0x0;
	s5 =	sld [smem:$0x3FAD]  }
0x2b: {  	s6 =	sld [smem:$0x3FAE]  }
0x2c: {  	s7 =	sld [smem:$0x3FAF]  }
0x2d: {  	s3 =	simm.s32 $0x108;
	s8 =	sld [smem:$0x3FB0]  }
0x2e: {  	s3 =	simm.s32 @!p0 $0x1082;
	s9 =	sld [smem:$0x3FB1]  }
0x2f: {  	lr =	sadd.s32 s0, s3;
	s0 =	sld [smem:$0x3FA8]  }
0x30: {  	s3 =	sld [smem:$0x3FAB]  }
0x31: {  	[smem:$0x3FB4] =	sst s10  }
0x32: {  	s10 =	sld [smem:$0x3FB2];
	_ =	sdelay $0x3  }
0x33: {  	p0 =	seq.s32 s10, $0x1;
	s10 =	sld [smem:$0x3FB4];
	_ =	sdelay $0x3  }
0x34: {  	[smem:$0x3FB4] =	sst s10  }
0x35: {  	s10 =	sld [smem:$0x3FB3];
	_ =	sdelay $0x3  }
0x36: {  	p1 =	seq.s32 s10, $0x1;
	s10 =	sld [smem:$0x3FB4];
	_ =	sdelay $0x3  }
0x37: {  	[smem:$0x3FB4] =	sst s10  }
0x38: {  	s10 =	sld [smem:$0x3FB5]  }
0x39: {  	_ = 	snop;
	(pc) =	sbr.ind lr, $3  }
0x3a: {  	_ = 	snop  }
0x3b: {  	_ = 	snop  }
0x3c: {  	p2 =	seq.s32 s10, $0x1;
	s10 =	sld [smem:$0x3FB4]  }
0x3d: {  	_ =	shalt  }
0x3e: {  	_ =	shalt  }
0x3f: {  	_ =	shalt  }
0x40: {  	_ =	shalt  }
0x41: {  	_ =	shalt  }
0x42: {  	_ =	shalt  }
0x43: {  	_ =	shalt  }
0x44: {  	_ =	shalt  }
0x45: {  	_ =	shalt  }
0x46: {  	_ =	shalt  }
0x47: {  	_ =	shalt  }
0x48: {  	_ =	shalt  }
0x49: {  	_ =	shalt  }
0x4a: {  	_ =	shalt  }
0x4b: {  	_ =	shalt  }
0x4c: {  	_ =	shalt  }
0x4d: {  	_ =	shalt  }
0x4e: {  	_ =	shalt  }
0x4f: {  	_ =	shalt  }
0x50: {  	_ =	shalt  }
0x51: {  	_ =	shalt  }
0x52: {  	_ =	shalt  }
0x53: {  	_ =	shalt  }
0x54: {  	_ =	shalt  }
0x55: {  	_ =	shalt  }
0x56: {  	_ =	shalt  }
0x57: {  	_ =	shalt  }
0x58: {  	_ =	shalt  }
0x59: {  	_ =	shalt  }
0x5a: {  	_ =	shalt  }
0x5b: {  	_ =	shalt  }
0x5c: {  	_ =	shalt  }
0x5d: {  	_ =	shalt  }
0x5e: {  	_ =	shalt  }
0x5f: {  	_ =	shalt  }
0x60: {  	_ =	shalt  }
0x61: {  	_ =	shalt  }
0x62: {  	_ =	shalt  }
0x63: {  	_ =	shalt  }
0x64: {  	_ =	shalt  }
0x65: {  	_ =	shalt  }
0x66: {  	_ =	shalt  }
0x67: {  	_ =	shalt  }
0x68: {  	_ =	shalt  }
0x69: {  	_ =	shalt  }
0x6a: {  	_ =	shalt  }
0x6b: {  	_ =	shalt  }
0x6c: {  	_ =	shalt  }
0x6d: {  	_ =	shalt  }
0x6e: {  	_ =	shalt  }
0x6f: {  	_ =	shalt  }
0x70: {  	_ =	shalt  }
0x71: {  	_ =	shalt  }
0x72: {  	_ =	shalt  }
0x73: {  	_ =	shalt  }
0x74: {  	_ =	shalt  }
0x75: {  	_ =	shalt  }
0x76: {  	_ =	shalt  }
0x77: {  	_ =	shalt  }
0x78: {  	_ =	shalt  }
0x79: {  	_ =	shalt  }
0x7a: {  	_ =	shalt  }
0x7b: {  	_ =	shalt  }
0x7c: {  	_ =	shalt  }
0x7d: {  	_ =	shalt  }
0x7e: {  	_ =	shalt  }
0x7f: {  	_ =	shalt  }
0x80: {  	_ =	shalt  }
0x81: {  	_ =	shalt  }
0x82: {  	_ =	shalt  }
0x83: {  	_ =	shalt  }
0x84: {  	_ =	shalt  }
0x85: {  	_ =	shalt  }
0x86: {  	_ =	shalt  }
0x87: {  	_ =	shalt  }
.Lfunc_end0:
.L_simem_size_0:
called_computation.2_lowered:
.L_overlay_start_0:
0x88: {  	s2 =	sld [smem:$0x3FD9]  }
0x89: {  	s3 =	sld [smem:$0x3FFE];
	_ =	sdelay $0x1  }
0x8a: {  	s1 =	srdreg.scid  }
0x8b: {  	s0 =	sand.u32 $0x1, s1  }
0x8c: {  	s16 =	sshll.u32 s0, $0xA;
	s2 =	sadd.s32 s3, s2  }
0x8d: {  	s2 =	sadd.s32 s2, s16  }
0x8e: {  	[smem:$0x3FC0] =	sst s2  }
0x8f: {  	_ = 	snop  }
0x90: {  	(tm) =	ssettm $0x1  }
0x91: {  	s17 =	sld [smem:$0x3FFB];
	_ =	sdelay $0x3  }
0x92: {  	_ =	strace s17  }
0x93: {  	s2 =	sld [smem:$0x3FFC];
	_ =	sdelay $0x3  }
0x94: {  	_ =	strace s2  }
0x95: {  	s2 =	sld [smem:$0x3FFD];
	_ =	sdelay $0x3  }
0x96: {  	_ =	strace s2  }
0x97: {  	_ =	strace $0x8FFFFFFF  }
0x98: {  	s18 =	sld [smem:$0x3FDB];
	_ =	sdelay $0x1  }
0x99: {  	s19 =	simm.s32 $_scs_section_size  }
0x9a: {  	s4 =	simm.s32 $_size__tile_overlayer_lowered;
	s5 =	simm.s32 $_tile_overlayer_lowered  }
0x9b: {  	s22 =	simm.s32 $0x1BFF;
	s21 =	sshll.u32 s5, $0x1;
	s2 =	sadd.s32 s19, s18  }
0x9c: {  	s6 =	simm.s32 $0x0;
	s20 =	sshll.u32 s4, $0x1;
	s4 =	sadd.s32 s21, s2  }
0x9d: {  	[timem:s6], [sflag:s22] =	dma.local [hbm:s4], s20  }
0x9e: {  	_ =	swait.ge [sflag:s22], s20  }
0x9f: {  	s3 =	ssub.s32 $0x0, s20;
	[sflag:s22] =	ssyncset.done $0x0  }
0xa0: {  	[sflag:s22] =	ssyncadd.s32 s3;
	_ =	sdelay $0x1  }
0xa1: {  	s23 =	simm.s32 $0x1B8B  }
0xa2: {  	_ =	swait.ge [sflag:s23], $0x1  }
0xa3: {  	[sflag:s23] =	ssyncset.done $0x0  }
0xa4: {  	s25 =	simm.s32 $0x1B8E;
	s24 =	sld [smem:$0x3FFE];
	[sflag:s23] =	ssyncadd.s32 $0xFFFFFFFF  }
0xa5: {  	s26 =	simm.s32 $execute0_lowered;
	[smem:$0x3FD2] =	sst s25  }
0xa6: {  	s4 =	sshll.u32 s26, $0x1;
	_ =	strace $0x8000004C;
	[dreg:$0x1] =	wrdreg $0xFFFFFFFF  }
0xa7: {  	s28 =	simm.s32 $_size_execute0_lowered;
	s2 =	sadd.s32 s2, s4;
	[dreg:$0x0] =	wrdreg $0x0  }
0xa8: {  	s4 =	sshll.u32 s28, $0x1;
	[dreg:$0x2] =	wrdreg s2  }
0xa9: {  	[dreg:$0x3] =	wrdreg s4  }
0xaa: {  	[dreg:$0x4] =	wrdreg $0xC0  }
0xab: {  	_ =	task [dreg:s6], $0x5FFFF  }
0xac: {  	[dreg:$0x1] =	wrdreg $0xFFFFFFFF  }
0xad: {  	[dreg:$0x0] =	wrdreg $0x60  }
0xae: {  	[dreg:$0x2] =	wrdreg s24  }
0xaf: {  	[dreg:$0x3] =	wrdreg $0x150000  }
0xb0: {  	[dreg:$0x4] =	wrdreg $0x9  }
0xb1: {  	_ =	task.clear_ibuf [dreg:s6], $0x5FFFF;
	_ =	strace $0x9000004C  }
0xb2: {  	s29 =	simm.s32 $0x9;
	_ =	strace $0x8000004E  }
0xb3: {  	_ =	swait.ge [sflag:s29], $0x1  }
0xb4: {  	[sflag:s29] =	ssyncadd.s32 $0xFFFFFFFF  }
0xb5: {  	_ =	strace $0x9000004E  }
0xb6: {  	_ =	sfence  }
0xb7: {  	s30 =	sld [smem:$0x0];
	_ =	sdelay $0x2  }
0xb8: {  	s31 =	sshll.u32 s1, $0xD;
	s1 =	sshrl.u32 s1, $0x2  }
0xb9: {  	s3 =	sand.u32 $0x4000, s31;
	s1 =	sadd.s32 s1, s30  }
0xba: {  	s0 =	sor.u32 s3, s0;
	s1 =	sshll.u32 s1, $0x11  }
0xbb: {  	s0 =	sor.u32 s1, s0  }
0xbc: {  	s0 =	sadd.s32 $0x8F2B, s0  }
0xbd: {  	[sflag:s0] =	ssyncadd.remote.s32 $0x1  }
0xbe: {  	_ =	sfence.sel $0xFFFF  }
0xbf: {  	[dreg:$0x0] =	wrdreg $0xFFFFFFFF;
	(pc) =	sbr.abs _section_cstart, $3  }
0xc0: {  	[dreg:$0x1] =	wrdreg $0xFFFFFFFF  }
0xc1: {  	_ =	task.clear_ibuf [dreg:s6], $0x2FFFF;
	_ =	strace $0x9FFFFFFF  }
0xc2: {  	(tm) =	ssettm $0x7FFFFFFF  }
0xc3: {  	_ =	shalt  }
tec
execute0_lowered:
.L_overlay_start_1:
0x0: {  	(tag) =	ssettag $0x1  }
0x1: {  	s0 =	srdreg.scid;
	s5 =	rddreg [dreg:$0x0]  }
0x2: {  	s10 =	stileid.u32;
	s2 =	rddreg [dreg:$0x1];
	s3 =	simm.s32 $0x0  }
0x3: {  	s12 =	simm.s32 $0x9;
	s13 =	simm.s32 $0x2800;
	s14 =	simm.s32 $0x100  }
0x4: {  	s15 =	simm.s32 $0x5000;
	s17 =	simm.s32 $0x9000;
	s19 =	simm.s32 $0xD000  }
0x5: {  	s21 =	simm.s32 $0x11000;
	s22 =	simm.s32 $0x1;
	s23 =	simm.s32 $0x2  }
0x6: {  	s24 =	simm.s32 $0x3;
	s25 =	simm.s32 $0x4;
	s28 =	simm.s32 $0x6  }
0x7: {  	s29 =	simm.s32 $0x7;
	s30 =	simm.s32 $0x8;
	s16 =	simm.s32 $0x2700  }
0x8: {  	s18 =	simm.s32 $0x0;
	s0 =	sand.u32 $0x1, s0;
	s6 =	smul.u32 $0xA000, s10  }
0x9: {  	[smem:$0x7FF] =	sst s3;
	s4 =	sadd.s32 $0x24E00, s5;
	s31 =	sshll.u32 s10, $0x6  }
0xa: {  	s1 =	sshll.u32 s0, $0x4;
	s7 =	smul.u32 $0xA0000, s0;
	_ =	strace $0x8000004D  }
0xb: {  	s0 =	ssub.s32 $0x2, s0;
	s1 =	sor.u32 s10, s1;
	s8 =	sshrl.u32 s6, $0x3  }
0xc: {  	s26 =	sshrl.u32 s0, $0x1;
	s11 =	sadd.s32 s6, s2;
	s1 =	smul.u32 $0x500, s1  }
0xd: {  	s7 =	sadd.s32 s6, s7;
	s8 =	sadd.s32 s8, s5;
	s0 =	ssub.s32 s0, s26  }
0xe: {  	s6 =	sor.u32 $0x1C09, s31;
	s11 =	sshrl.u32 s11, $0x3;
	s26 =	simm.s32 $0x5  }
0xf: {  	s7 =	sshrl.u32 s7, $0x3;
	s10 =	smax.u32 s0, $0x1;
	s0 =	simm.s32 $0x2600  }
0x10: {  	s1 =	sadd.s32 s1, s5;
	s9 =	sadd.s32 s7, s5;
	s5 =	sadd.s32 $0x38E00, s8  }
0x11: {  	s7 =	sadd.s32 $0x1AE00, s1;
	s8 =	sadd.s32 $0x1E00, s1;
	s9 =	sadd.s32 $0x4CE00, s9  }
.LBB2_1:
0x12: {  	[spmem:s11], [sflag:s6] =	dma.local [hbm:s5], $0x1400  }
0x13: {  	_ =	swait.ge [sflag:s12], $0x1400  }
0x14: {  	[sflag:s12] =	ssyncset.done $0x0  }
0x15: {  	[sflag:s12] =	ssyncadd.s32 $0xFFFFEC00  }
0x16: {  	[tilespmem:s3], [sflag:$0x9] =	stream.linear.gather [hbm4b:s7+s3], $0x2800, $0x38;
	[tilespmem:$0x1F000] =	vst v63  }
0x17: {  	_ =	swait.ge [sflag:s12], $0x2800  }
0x18: {  	[sflag:s12] =	ssyncset.done $0x0  }
0x19: {  	[sflag:s12] =	ssyncadd.s32 $0xFFFFD800  }
0x1a: {  	[tilespmem:s13], [sflag:$0x9] =	stream.linear.gather [hbm4b:s8+s3], $0x2800, $0x38;
	[tilespmem:$0x1F000] =	vst v63  }
0x1b: {  	_ =	swait.ge [sflag:s12], $0x2800  }
0x1c: {  	[sflag:s12] =	ssyncset.done $0x0  }
0x1d: {  	[sflag:s12] =	ssyncadd.s32 $0xFFFFD800  }
0x1e: {  	[bflag:$0x0] =	sbarrier.arrive $0xFFFF  }
0x1f: {  	[tilespmem:s15], [sflag:$0x1] =	stream.indirect.gather [hbm4b:s4+s14], $0x40, s13, s14, $0xb8;
	[tilespmem:$0x1F000] =	vst v63  }
0x20: {  	s1 =	simm.s32 $0x2900  }
0x21: {  	[tilespmem:s17], [sflag:$0x2] =	stream.indirect.gather [hbm4b:s4+s14], $0x40, s1, s14, $0xb8;
	[tilespmem:$0x1F000] =	vst v63  }
0x22: {  	s20 =	simm.s32 $0x2A00  }
0x23: {  	[tilespmem:s19], [sflag:$0x3] =	stream.indirect.gather [hbm4b:s4+s14], $0x40, s20, s14, $0xb8;
	[tilespmem:$0x1F000] =	vst v63  }
0x24: {  	s20 =	simm.s32 $0x2B00  }
0x25: {  	[tilespmem:s21], [sflag:$0x4] =	stream.indirect.gather [hbm4b:s4+s14], $0x40, s20, s14, $0xb8;
	[tilespmem:$0x1F000] =	vst v63  }
0x26: {  	_ =	swait.ge [sflag:s22], $0x4000  }
0x27: {  	[sflag:s22] =	ssyncset.done $0x0  }
0x28: {  	s20 =	simm.s32 $0x0;
	[sflag:s22] =	ssyncadd.s32 $0xFFFFC000  }
0x29: {  	[spmem:s2] =	stream.indirect.scatter.add.f32 [tilespmem:s15], [sflag:$0x5], $0x40, s20, s14, $0xb8;
	[tilespmem:$0x1F000] =	vst v63  }
0x2a: {  	_ =	swait.ge [sflag:s23], $0x4000  }
0x2b: {  	[sflag:s23] =	ssyncset.done $0x0  }
0x2c: {  	s1 =	simm.s32 $0x100;
	[sflag:s23] =	ssyncadd.s32 $0xFFFFC000  }
0x2d: {  	[spmem:s2] =	stream.indirect.scatter.add.f32 [tilespmem:s17], [sflag:$0x6], $0x40, s1, s14, $0xb8;
	[tilespmem:$0x1F000] =	vst v63  }
0x2e: {  	_ =	swait.ge [sflag:s24], $0x4000  }
0x2f: {  	[sflag:s24] =	ssyncset.done $0x0  }
0x30: {  	s1 =	simm.s32 $0x200;
	[sflag:s24] =	ssyncadd.s32 $0xFFFFC000  }
0x31: {  	[spmem:s2] =	stream.indirect.scatter.add.f32 [tilespmem:s19], [sflag:$0x7], $0x40, s1, s14, $0xb8;
	[tilespmem:$0x1F000] =	vst v63  }
0x32: {  	_ =	swait.ge [sflag:s25], $0x4000  }
0x33: {  	[sflag:s25] =	ssyncset.done $0x0  }
0x34: {  	s1 =	simm.s32 $0x300;
	[sflag:s25] =	ssyncadd.s32 $0xFFFFC000  }
0x35: {  	[spmem:s2] =	stream.indirect.scatter.add.f32 [tilespmem:s21], [sflag:$0x8], $0x40, s1, s14, $0xb8;
	[tilespmem:$0x1F000] =	vst v63  }
0x36: {  	_ =	swait.ge [sflag:s26], $0x4000  }
0x37: {  	[sflag:s26] =	ssyncset.done $0x0  }
0x38: {  	s1 =	simm.s32 $0x2C00;
	[sflag:s26] =	ssyncadd.s32 $0xFFFFC000  }
0x39: {  	[tilespmem:s15], [sflag:$0x1] =	stream.indirect.gather [hbm4b:s4+s14], $0x40, s1, s14, $0xb8;
	[tilespmem:$0x1F000] =	vst v63  }
0x3a: {  	_ =	swait.ge [sflag:s28], $0x4000  }
0x3b: {  	[sflag:s28] =	ssyncset.done $0x0  }
0x3c: {  	s1 =	simm.s32 $0x2D00;
	[sflag:s28] =	ssyncadd.s32 $0xFFFFC000  }
0x3d: {  	[tilespmem:s17], [sflag:$0x2] =	stream.indirect.gather [hbm4b:s4+s14], $0x40, s1, s14, $0xb8;
	[tilespmem:$0x1F000] =	vst v63  }
0x3e: {  	_ =	swait.ge [sflag:s29], $0x4000  }
0x3f: {  	[sflag:s29] =	ssyncset.done $0x0  }
0x40: {  	s1 =	simm.s32 $0x2E00;
	[sflag:s29] =	ssyncadd.s32 $0xFFFFC000  }
0x41: {  	[tilespmem:s19], [sflag:$0x3] =	stream.indirect.gather [hbm4b:s4+s14], $0x40, s1, s14, $0xb8;
	[tilespmem:$0x1F000] =	vst v63  }
0x42: {  	_ =	swait.ge [sflag:s30], $0x4000  }
0x43: {  	[sflag:s30] =	ssyncset.done $0x0  }
0x44: {  	s31 =	simm.s32 $0x2F00;
	s20 =	simm.s32 $0x1000;
	[sflag:s30] =	ssyncadd.s32 $0xFFFFC000  }
.LBB2_2:
0x45: {  	[tilespmem:s21], [sflag:$0x4] =	stream.indirect.gather [hbm4b:s4+s14], $0x40, s31, s14, $0xb8;
	[tilespmem:$0x1F000] =	vst v63  }
0x46: {  	s31 =	smov.u32 s20  }
0x47: {  	p0 =	sne.s32 s20, $0x8000;
	s20 =	sadd.s32 $0x1000, s20;
	_ =	swait.ge [sflag:s22], $0x4000  }
0x48: {  	[sflag:s22] =	ssyncset.done $0x0  }
0x49: {  	s31 =	sshra.s32 s31, $0x2;
	[sflag:s22] =	ssyncadd.s32 $0xFFFFC000  }
0x4a: {  	[spmem:s2] =	stream.indirect.scatter.add.f32 [tilespmem:s15], [sflag:$0x5], $0x40, s31, s14, $0xb8;
	[tilespmem:$0x1F000] =	vst v63  }
0x4b: {  	_ =	swait.ge [sflag:s23], $0x4000  }
0x4c: {  	[sflag:s23] =	ssyncset.done $0x0  }
0x4d: {  	s1 =	sadd.s32 $0x100, s31;
	[sflag:s23] =	ssyncadd.s32 $0xFFFFC000  }
0x4e: {  	[spmem:s2] =	stream.indirect.scatter.add.f32 [tilespmem:s17], [sflag:$0x6], $0x40, s1, s14, $0xb8;
	[tilespmem:$0x1F000] =	vst v63  }
0x4f: {  	_ =	swait.ge [sflag:s24], $0x4000  }
0x50: {  	[sflag:s24] =	ssyncset.done $0x0  }
0x51: {  	s1 =	sadd.s32 $0x200, s31;
	[sflag:s24] =	ssyncadd.s32 $0xFFFFC000  }
0x52: {  	[spmem:s2] =	stream.indirect.scatter.add.f32 [tilespmem:s19], [sflag:$0x7], $0x40, s1, s14, $0xb8;
	[tilespmem:$0x1F000] =	vst v63  }
0x53: {  	_ =	swait.ge [sflag:s25], $0x4000  }
0x54: {  	[sflag:s25] =	ssyncset.done $0x0  }
0x55: {  	s1 =	sadd.s32 $0x300, s31;
	[sflag:s25] =	ssyncadd.s32 $0xFFFFC000  }
0x56: {  	[spmem:s2] =	stream.indirect.scatter.add.f32 [tilespmem:s21], [sflag:$0x8], $0x40, s1, s14, $0xb8;
	[tilespmem:$0x1F000] =	vst v63  }
0x57: {  	_ =	swait.ge [sflag:s26], $0x4000  }
0x58: {  	[sflag:s26] =	ssyncset.done $0x0  }
0x59: {  	s1 =	sadd.s32 $0x2C00, s31;
	[sflag:s26] =	ssyncadd.s32 $0xFFFFC000  }
0x5a: {  	[tilespmem:s15], [sflag:$0x1] =	stream.indirect.gather [hbm4b:s4+s14], $0x40, s1, s14, $0xb8;
	[tilespmem:$0x1F000] =	vst v63  }
0x5b: {  	_ =	swait.ge [sflag:s28], $0x4000  }
0x5c: {  	[sflag:s28] =	ssyncset.done $0x0  }
0x5d: {  	s1 =	sadd.s32 $0x2D00, s31;
	[sflag:s28] =	ssyncadd.s32 $0xFFFFC000  }
0x5e: {  	[tilespmem:s17], [sflag:$0x2] =	stream.indirect.gather [hbm4b:s4+s14], $0x40, s1, s14, $0xb8;
	[tilespmem:$0x1F000] =	vst v63  }
0x5f: {  	_ =	swait.ge [sflag:s29], $0x4000  }
0x60: {  	[sflag:s29] =	ssyncset.done $0x0  }
.Ltmp0:
0x61: {  	s1 =	sadd.s32 $0x2E00, s31;
	[sflag:s29] =	ssyncadd.s32 $0xFFFFC000;
	(pc) =	sbr.rel @p0 .LBB2_2-.Ltmp0, $4  }
0x62: {  	[tilespmem:s19], [sflag:$0x3] =	stream.indirect.gather [hbm4b:s4+s14], $0x40, s1, s14, $0xb8;
	[tilespmem:$0x1F000] =	vst v63  }
0x63: {  	_ =	swait.ge [sflag:s30], $0x4000  }
0x64: {  	[sflag:s30] =	ssyncset.done $0x0  }
0x65: {  	s31 =	sadd.s32 $0x2F00, s31;
	[sflag:s30] =	ssyncadd.s32 $0xFFFFC000  }
0x66: {  	[tilespmem:s21], [sflag:$0x4] =	stream.indirect.gather [hbm4b:s4+s14], $0x40, s31, s14, $0xb8;
	[tilespmem:$0x1F000] =	vst v63  }
0x67: {  	_ =	swait.ge [sflag:s22], $0x4000  }
0x68: {  	[sflag:s22] =	ssyncset.done $0x0  }
0x69: {  	s1 =	simm.s32 $0x2400;
	[sflag:s22] =	ssyncadd.s32 $0xFFFFC000  }
0x6a: {  	[spmem:s2] =	stream.indirect.scatter.add.f32 [tilespmem:s15], [sflag:$0x5], $0x40, s1, s14, $0xb8;
	[tilespmem:$0x1F000] =	vst v63  }
0x6b: {  	_ =	swait.ge [sflag:s23], $0x4000  }
0x6c: {  	[sflag:s23] =	ssyncset.done $0x0  }
0x6d: {  	s31 =	simm.s32 $0x2500;
	[sflag:s23] =	ssyncadd.s32 $0xFFFFC000  }
0x6e: {  	[spmem:s2] =	stream.indirect.scatter.add.f32 [tilespmem:s17], [sflag:$0x6], $0x40, s31, s14, $0xb8;
	[tilespmem:$0x1F000] =	vst v63  }
0x6f: {  	_ =	swait.ge [sflag:s24], $0x4000  }
0x70: {  	[sflag:s24] =	ssyncset.done $0x0  }
0x71: {  	[sflag:s24] =	ssyncadd.s32 $0xFFFFC000  }
0x72: {  	[spmem:s2] =	stream.indirect.scatter.add.f32 [tilespmem:s19], [sflag:$0x7], $0x40, s0, s14, $0xb8;
	[tilespmem:$0x1F000] =	vst v63  }
0x73: {  	_ =	swait.ge [sflag:s25], $0x4000  }
0x74: {  	[sflag:s25] =	ssyncset.done $0x0  }
0x75: {  	[sflag:s25] =	ssyncadd.s32 $0xFFFFC000  }
0x76: {  	[spmem:s2] =	stream.indirect.scatter.add.f32 [tilespmem:s21], [sflag:$0x8], $0x40, s16, s14, $0xb8;
	[tilespmem:$0x1F000] =	vst v63  }
0x77: {  	_ =	swait.ge [sflag:s26], $0x4000  }
0x78: {  	[sflag:s26] =	ssyncset.done $0x0  }
0x79: {  	[sflag:s26] =	ssyncadd.s32 $0xFFFFC000  }
0x7a: {  	_ =	swait.ge [sflag:s28], $0x4000  }
0x7b: {  	[sflag:s28] =	ssyncset.done $0x0  }
0x7c: {  	[sflag:s28] =	ssyncadd.s32 $0xFFFFC000  }
0x7d: {  	_ =	swait.ge [sflag:s29], $0x4000  }
0x7e: {  	[sflag:s29] =	ssyncset.done $0x0  }
0x7f: {  	[sflag:s29] =	ssyncadd.s32 $0xFFFFC000  }
0x80: {  	_ =	swait.ge [sflag:s30], $0x4000  }
0x81: {  	s18 =	sadd.s32 $0x1, s18;
	[sflag:s30] =	ssyncset.done $0x0  }
0x82: {  	p0 =	sne.s32 s18, s10;
	[sflag:s30] =	ssyncadd.s32 $0xFFFFC000  }
.Ltmp1:
0x83: {  	[bflag:$0x0] =	sbarrier.arrive $0xFFFF;
	(pc) =	sbr.rel @p0 .LBB2_1-.Ltmp1, $4  }
0x84: {  	[hbm:s9], [sflag:s6] =	dma.local [spmem:s11], $0x1400  }
0x85: {  	_ =	swait.ge [sflag:s12], $0x1400  }
0x86: {  	[sflag:s12] =	ssyncset.done $0x0  }
0x87: {  	[sflag:s12] =	ssyncadd.s32 $0xFFFFEC00  }
0x88: {  	_ =	sfence.sel $0x180000  }
0x89: {  	[bflag:$0x0] =	sbarrier.arrive $0xFFFF  }
0x8a: {  	_ =	strace $0x9000004D  }
0x8b: {  	s0 =	stileid.u32;
	[bflag:$0x2] =	sbarrier.arrive $0xFFFF  }
0x8c: {  	p0 =	sne.s32 s0, $0x0;
	s0 =	rddreg [dreg:$0x2]  }
0x8d: {  	s0 =	sadd.s32 @!p0 $0x100000, s0  }
0x8e: {  	[sflag:s0] =	ssyncadd.tile.s32 @!p0 $0x1;
	_ =	shalt  }
.Lfunc_end2:
_tile_overlayer_lowered:
.L_overlay_start_2:
0x8f: {  	(tag) =	ssettag $0x2  }
0x90: {  	s0 =	rddreg [dreg:$0x0];
	s2 =	stileid.u32  }
0x91: {  	s1 =	rddreg [dreg:$0x1];
	p0 =	sne.s32 s2, $0x0  }
0x92: {  	s3 =	rddreg [dreg:$0x2];
	[bflag:$0x3] =	sbarrier.arrive $0xFFFF;
	s2 =	simm.s32 @!p0 $0x1C09  }
0x93: {  	[timem:s3], [sflag:s2] =	dma.local @!p0 [hbm:s0], s1  }
0x94: {  	s0 =	simm.s32 @!p0 $0x9  }
0x95: {  	_ =	swait.ge @!p0 [sflag:s0], s1  }
0x96: {  	s1 =	ssub.s32 @!p0 $0x0, s1;
	[sflag:s0] =	ssyncset.done @!p0 $0x0  }
0x97: {  	[sflag:s0] =	ssyncadd.s32 @!p0 s1  }
0x98: {  	[bflag:$0x3] =	sbarrier.arrive $0xFFFF  }
0x99: {  	_ =	shalt  }

// kernel: _impl.6.cloned.1.call-start
scs
__scs_entry_jumppad:
0x0: {  	(pc) =	sbr.rel $0x88, $3  }
0x1: {  	(tag) =	ssettag $0x0;
	lr =	simm.s32 $0x1  }
0x2: {  	[smem:$0x3F99] =	sst lr;
	_ =	strace $0xD0000000  }
0x3: {  	_ = 	snop  }
0x4: {  	_ = 	snop  }
0x5: {  	_ = 	snop  }
0x6: {  	_ = 	snop  }
0x7: {  	_ = 	snop  }
__scs_overlays_trampoline_lowered:
0x8: {  	[smem:$0x3FA8] =	sst s0  }
0x9: {  	[smem:$0x3FA9] =	sst s1  }
0xa: {  	[smem:$0x3FAA] =	sst s2  }
0xb: {  	[smem:$0x3FAB] =	sst s3  }
0xc: {  	[smem:$0x3FAC] =	sst s4  }
0xd: {  	[smem:$0x3FAD] =	sst s5  }
0xe: {  	[smem:$0x3FAE] =	sst s6  }
0xf: {  	[smem:$0x3FAF] =	sst s7  }
0x10: {  	[smem:$0x3FB0] =	sst s8  }
0x11: {  	[smem:$0x3FB1] =	sst s9;
	s0 =	simm.s32 @!p0 $0x0  }
0x12: {  	s1 =	sld [smem:$0x3F97];
	s0 =	simm.s32 @p0 $0x1  }
0x13: {  	[smem:$0x3FB2] =	sst s0;
	s0 =	simm.s32 @!p1 $0x0  }
0x14: {  	s2 =	sld [smem:$0x3F96];
	s0 =	simm.s32 @p1 $0x1  }
0x15: {  	[smem:$0x3FB3] =	sst s0;
	s0 =	simm.s32 @!p2 $0x0  }
0x16: {  	s3 =	sld [smem:$0x3FDB];
	s0 =	simm.s32 @p2 $0x1  }
0x17: {  	s4 =	simm.s32 $0x1BF5;
	[smem:$0x3FB5] =	sst s0  }
0x18: {  	s0 =	sld [smem:$0x3F98];
	_ =	swait.ge [sflag:s4], $0x0  }
0x19: {  	s7 =	sld [smem:$0x3F99]  }
0x1a: {  	s8 =	sadd.s32 $0xFFFFE003, lr  }
0x1b: {  	s9 =	sadd.s32 $0xFFFFFEF7, lr;
	s5 =	simm.s32 $0xFFFFFFFF;
	p2 =	slt.u32 s8, $0xFFFFF086  }
0x1c: {  	p1 =	slt.u32 s9, $0xF7A;
	s5 =	simm.s32 @!p2 $0x0  }
0x1d: {  	s5 =	simm.s32 @p1 $0x1;
	p0 =	seq.s32 s7, s2  }
0x1e: {  	s7 =	smul.u32 @!p0 $0xF7A, s2;
	p2 =	seq.s32 @!p0 s5, $0x0  }
0x1f: {  	s9 =	smul.u32 $0xF7A, s1;
	s8 =	simm.s32 @!p0 $0x1BF5;
	p2 =	por !p2, p0  }
0x20: {  	[sflag:s8] =	ssyncset.s32 @!p0 $0xFFFFF086;
	s6 =	sadd.s32 @!p0 s3, s7;
	s7 =	simm.s32 @!p0 $0x108  }
0x21: {  	s3 =	sadd.s32 s3, s9;
	s6 =	sadd.s32 @!p0 $0x88, s6;
	s7 =	simm.s32 @p2 $0x1082  }
0x22: {  	[simem:s7], [sflag:s8] =	dma.local @!p0 [hbm:s6], $0xF7A  }
0x23: {  	s9 =	sor.u32 $0xD0000000, s2;
	s6 =	simm.s32 $0x108;
	_ =	swait.ge @!p0 [sflag:s8], $0x0  }
0x24: {  	s3 =	sadd.s32 $0x88, s3;
	s6 =	simm.s32 @!p1 $0x1082;
	[sflag:s4] =	ssyncset.s32 $0xFFFFF086  }
0x25: {  	[simem:s6], [sflag:s4] =	dma.local [hbm:s3], $0xF7A  }
0x26: {  	[smem:$0x3F99] =	sst s1;
	(tag) =	ssettag s2;
	_ =	strace s9  }
0x27: {  	s1 =	sld [smem:$0x3FA9]  }
0x28: {  	s2 =	sld [smem:$0x3FAA]  }
0x29: {  	s4 =	sld [smem:$0x3FAC]  }
0x2a: {  	p0 =	seq.s32 s5, $0x0;
	s5 =	sld [smem:$0x3FAD]  }
0x2b: {  	s6 =	sld [smem:$0x3FAE]  }
0x2c: {  	s7 =	sld [smem:$0x3FAF]  }
0x2d: {  	s3 =	simm.s32 $0x108;
	s8 =	sld [smem:$0x3FB0]  }
0x2e: {  	s3 =	simm.s32 @!p0 $0x1082;
	s9 =	sld [smem:$0x3FB1]  }
0x2f: {  	lr =	sadd.s32 s0, s3;
	s0 =	sld [smem:$0x3FA8]  }
0x30: {  	s3 =	sld [smem:$0x3FAB]  }
0x31: {  	[smem:$0x3FB4] =	sst s10  }
0x32: {  	s10 =	sld [smem:$0x3FB2];
	_ =	sdelay $0x3  }
0x33: {  	p0 =	seq.s32 s10, $0x1;
	s10 =	sld [smem:$0x3FB4];
	_ =	sdelay $0x3  }
0x34: {  	[smem:$0x3FB4] =	sst s10  }
0x35: {  	s10 =	sld [smem:$0x3FB3];
	_ =	sdelay $0x3  }
0x36: {  	p1 =	seq.s32 s10, $0x1;
	s10 =	sld [smem:$0x3FB4];
	_ =	sdelay $0x3  }
0x37: {  	[smem:$0x3FB4] =	sst s10  }
0x38: {  	s10 =	sld [smem:$0x3FB5]  }
0x39: {  	_ = 	snop;
	(pc) =	sbr.ind lr, $3  }
0x3a: {  	_ = 	snop  }
0x3b: {  	_ = 	snop  }
0x3c: {  	p2 =	seq.s32 s10, $0x1;
	s10 =	sld [smem:$0x3FB4]  }
0x3d: {  	_ =	shalt  }
0x3e: {  	_ =	shalt  }
0x3f: {  	_ =	shalt  }
0x40: {  	_ =	shalt  }
0x41: {  	_ =	shalt  }
0x42: {  	_ =	shalt  }
0x43: {  	_ =	shalt  }
0x44: {  	_ =	shalt  }
0x45: {  	_ =	shalt  }
0x46: {  	_ =	shalt  }
0x47: {  	_ =	shalt  }
0x48: {  	_ =	shalt  }
0x49: {  	_ =	shalt  }
0x4a: {  	_ =	shalt  }
0x4b: {  	_ =	shalt  }
0x4c: {  	_ =	shalt  }
0x4d: {  	_ =	shalt  }
0x4e: {  	_ =	shalt  }
0x4f: {  	_ =	shalt  }
0x50: {  	_ =	shalt  }
0x51: {  	_ =	shalt  }
0x52: {  	_ =	shalt  }
0x53: {  	_ =	shalt  }
0x54: {  	_ =	shalt  }
0x55: {  	_ =	shalt  }
0x56: {  	_ =	shalt  }
0x57: {  	_ =	shalt  }
0x58: {  	_ =	shalt  }
0x59: {  	_ =	shalt  }
0x5a: {  	_ =	shalt  }
0x5b: {  	_ =	shalt  }
0x5c: {  	_ =	shalt  }
0x5d: {  	_ =	shalt  }
0x5e: {  	_ =	shalt  }
0x5f: {  	_ =	shalt  }
0x60: {  	_ =	shalt  }
0x61: {  	_ =	shalt  }
0x62: {  	_ =	shalt  }
0x63: {  	_ =	shalt  }
0x64: {  	_ =	shalt  }
0x65: {  	_ =	shalt  }
0x66: {  	_ =	shalt  }
0x67: {  	_ =	shalt  }
0x68: {  	_ =	shalt  }
0x69: {  	_ =	shalt  }
0x6a: {  	_ =	shalt  }
0x6b: {  	_ =	shalt  }
0x6c: {  	_ =	shalt  }
0x6d: {  	_ =	shalt  }
0x6e: {  	_ =	shalt  }
0x6f: {  	_ =	shalt  }
0x70: {  	_ =	shalt  }
0x71: {  	_ =	shalt  }
0x72: {  	_ =	shalt  }
0x73: {  	_ =	shalt  }
0x74: {  	_ =	shalt  }
0x75: {  	_ =	shalt  }
0x76: {  	_ =	shalt  }
0x77: {  	_ =	shalt  }
0x78: {  	_ =	shalt  }
0x79: {  	_ =	shalt  }
0x7a: {  	_ =	shalt  }
0x7b: {  	_ =	shalt  }
0x7c: {  	_ =	shalt  }
0x7d: {  	_ =	shalt  }
0x7e: {  	_ =	shalt  }
0x7f: {  	_ =	shalt  }
0x80: {  	_ =	shalt  }
0x81: {  	_ =	shalt  }
0x82: {  	_ =	shalt  }
0x83: {  	_ =	shalt  }
0x84: {  	_ =	shalt  }
0x85: {  	_ =	shalt  }
0x86: {  	_ =	shalt  }
0x87: {  	_ =	shalt  }
.Lfunc_end0:
.L_simem_size_0:
called_computation_lowered:
.L_overlay_start_0:
0x88: {  	s2 =	sld [smem:$0x3FD9]  }
0x89: {  	s3 =	sld [smem:$0x3FFE];
	_ =	sdelay $0x1  }
0x8a: {  	s1 =	srdreg.scid  }
0x8b: {  	s0 =	sand.u32 $0x1, s1  }
0x8c: {  	s17 =	sshll.u32 s0, $0xA;
	s2 =	sadd.s32 s3, s2  }
0x8d: {  	s2 =	sadd.s32 s2, s17  }
0x8e: {  	[smem:$0x3FC0] =	sst s2  }
0x8f: {  	_ = 	snop  }
0x90: {  	s2 =	sld [smem:$0x3FD0];
	(tm) =	ssettm $0x1  }
0x91: {  	s18 =	sld [smem:$0x3FFB];
	_ =	sdelay $0x3  }
0x92: {  	_ =	strace s18  }
0x93: {  	s3 =	sld [smem:$0x3FFC];
	_ =	sdelay $0x3  }
0x94: {  	_ =	strace s3  }
0x95: {  	s3 =	sld [smem:$0x3FFD];
	_ =	sdelay $0x3  }
0x96: {  	_ =	strace s3  }
0x97: {  	_ =	strace $0x8FFFFFFF  }
0x98: {  	s19 =	sld [smem:$0x3FDB];
	_ =	sdelay $0x1  }
0x99: {  	s4 =	simm.s32 $_scs_section_size  }
0x9a: {  	s5 =	simm.s32 $_size__tile_overlayer_lowered;
	s6 =	simm.s32 $_tile_overlayer_lowered  }
0x9b: {  	s22 =	simm.s32 $0x1BFF;
	s21 =	sshll.u32 s6, $0x1;
	s3 =	sadd.s32 s4, s19  }
0x9c: {  	s7 =	simm.s32 $0x0;
	s20 =	sshll.u32 s5, $0x1;
	s5 =	sadd.s32 s21, s3  }
0x9d: {  	[timem:s7], [sflag:s22] =	dma.local [hbm:s5], s20  }
0x9e: {  	_ =	swait.ge [sflag:s22], s20  }
0x9f: {  	s4 =	ssub.s32 $0x0, s20;
	[sflag:s22] =	ssyncset.done $0x0  }
0xa0: {  	[sflag:s22] =	ssyncadd.s32 s4;
	_ =	sdelay $0x1  }
0xa1: {  	s23 =	simm.s32 $0x1B8B  }
0xa2: {  	_ =	swait.ge [sflag:s23], $0x1  }
0xa3: {  	[sflag:s23] =	ssyncset.done $0x0  }
0xa4: {  	s25 =	simm.s32 $0x1B8E;
	s24 =	sld [smem:$0x3FFE];
	[sflag:s23] =	ssyncadd.s32 $0xFFFFFFFF  }
0xa5: {  	s26 =	simm.s32 $execute0_lowered;
	[smem:$0x3FD2] =	sst s25  }
0xa6: {  	s5 =	sshll.u32 s26, $0x1;
	_ =	strace $0x80000046;
	[dreg:$0x1] =	wrdreg $0xFFFFFFFF  }
0xa7: {  	s28 =	simm.s32 $_size_execute0_lowered;
	s3 =	sadd.s32 s3, s5;
	[dreg:$0x0] =	wrdreg $0x0  }
0xa8: {  	s5 =	sshll.u32 s28, $0x1;
	[dreg:$0x2] =	wrdreg s3  }
0xa9: {  	[dreg:$0x3] =	wrdreg s5  }
0xaa: {  	[dreg:$0x4] =	wrdreg $0xC0  }
0xab: {  	_ =	task [dreg:s7], $0x5FFFF  }
0xac: {  	[dreg:$0x1] =	wrdreg $0xFFFFFFFF  }
0xad: {  	[dreg:$0x0] =	wrdreg $0x60  }
0xae: {  	[dreg:$0x2] =	wrdreg s24  }
0xaf: {  	[dreg:$0x3] =	wrdreg s2  }
0xb0: {  	[dreg:$0x4] =	wrdreg $0x38000  }
0xb1: {  	[dreg:$0x5] =	wrdreg $0x9  }
0xb2: {  	_ =	task.clear_ibuf [dreg:s7], $0x6FFFF;
	_ =	strace $0x90000046  }
0xb3: {  	s29 =	simm.s32 $0x9;
	_ =	strace $0x80000048  }
0xb4: {  	_ =	swait.ge [sflag:s29], $0x1  }
0xb5: {  	[sflag:s29] =	ssyncadd.s32 $0xFFFFFFFF  }
0xb6: {  	_ =	strace $0x90000048  }
0xb7: {  	_ =	sfence  }
0xb8: {  	s30 =	sld [smem:$0x0];
	_ =	sdelay $0x2  }
0xb9: {  	s31 =	sshll.u32 s1, $0xD;
	s1 =	sshrl.u32 s1, $0x2  }
0xba: {  	s3 =	sand.u32 $0x4000, s31;
	s1 =	sadd.s32 s1, s30  }
0xbb: {  	s0 =	sor.u32 s3, s0;
	s1 =	sshll.u32 s1, $0x11  }
0xbc: {  	s0 =	sor.u32 s1, s0  }
0xbd: {  	s0 =	sadd.s32 $0x8F2B, s0  }
0xbe: {  	[sflag:s0] =	ssyncadd.remote.s32 $0x1  }
0xbf: {  	_ =	sfence.sel $0xFFFF  }
0xc0: {  	[dreg:$0x0] =	wrdreg $0xFFFFFFFF;
	(pc) =	sbr.abs _section_cstart, $3  }
0xc1: {  	[dreg:$0x1] =	wrdreg $0xFFFFFFFF  }
0xc2: {  	_ =	task.clear_ibuf [dreg:s7], $0x2FFFF;
	_ =	strace $0x9FFFFFFF  }
0xc3: {  	(tm) =	ssettm $0x7FFFFFFF  }
tec
execute0_lowered:
.L_overlay_start_1:
0x0: {  	(tag) =	ssettag $0x1  }
0x1: {  	s6 =	rddreg [dreg:$0x0]  }
0x2: {  	s2 =	rddreg [dreg:$0x1]  }
0x3: {  	s0 =	srdreg.scid;
	s3 =	rddreg [dreg:$0x2];
	s4 =	simm.s32 $0x0  }
0x4: {  	s13 =	simm.s32 $0x100;
	s14 =	simm.s32 $0x1;
	s15 =	simm.s32 $0x2  }
0x5: {  	s16 =	simm.s32 $0x0;
	s5 =	sand.u32 $0x1, s0;
	s0 =	stileid.u32  }
0x6: {  	[smem:$0x7FF] =	sst s4;
	s1 =	sshll.u32 s5, $0x4;
	s8 =	smul.u32 $0x2800, s0  }
0x7: {  	s9 =	smul.u32 $0x28000, s5;
	s5 =	ssub.s32 $0x2, s5;
	s1 =	sor.u32 s0, s1  }
0x8: {  	s31 =	sshll.u32 s0, $0x6;
	s30 =	sshrl.u32 s5, $0x1;
	s7 =	smul.u32 $0x500, s1  }
0x9: {  	s1 =	rddreg [dreg:$0x3];
	_ =	strace $0x80000047;
	s9 =	sadd.s32 s8, s9  }
0xa: {  	s10 =	sshrl.u32 s8, $0x3;
	s11 =	ssub.s32 s5, s30;
	s12 =	sadd.s32 s8, s3  }
0xb: {  	s9 =	sshrl.u32 s9, $0x3;
	s10 =	sadd.s32 s10, s6;
	s7 =	sadd.s32 s7, s6  }
0xc: {  	s9 =	sadd.s32 s9, s6;
	s5 =	sadd.s32 $0xBE00, s10;
	s6 =	sor.u32 $0x1C03, s31  }
0xd: {  	s10 =	sshrl.u32 s12, $0x3;
	s12 =	simm.s32 $0x2800;
	s7 =	sadd.s32 $0x1E00, s7  }
0xe: {  	s8 =	sadd.s32 $0x10E00, s9;
	s9 =	smax.u32 s11, $0x1;
	s11 =	simm.s32 $0x3  }
.LBB2_1:
0xf: {  	[spmem:s10], [sflag:s6] =	dma.local [hbm:s5], $0x500  }
0x10: {  	_ =	swait.ge [sflag:s11], $0x500  }
0x11: {  	[sflag:s11] =	ssyncset.done $0x0  }
0x12: {  	[sflag:s11] =	ssyncadd.s32 $0xFFFFFB00  }
0x13: {  	[tilespmem:s12], [sflag:$0x3] =	stream.linear.gather [hbm4b:s2+s4], $0x1000, $0x38;
	[tilespmem:$0x6000] =	vst v63  }
0x14: {  	_ =	swait.ge [sflag:s11], $0x1000  }
0x15: {  	[sflag:s11] =	ssyncset.done $0x0  }
0x16: {  	[sflag:s11] =	ssyncadd.s32 $0xFFFFF000  }
0x17: {  	[tilespmem:s4], [sflag:$0x3] =	stream.linear.gather [hbm4b:s7+s4], $0x2800, $0x38;
	[tilespmem:$0x6000] =	vst v63  }
0x18: {  	_ =	swait.ge [sflag:s11], $0x2800  }
0x19: {  	[sflag:s11] =	ssyncset.done $0x0  }
0x1a: {  	[sflag:s11] =	ssyncadd.s32 $0xFFFFD800  }
0x1b: {  	[bflag:$0x0] =	sbarrier.arrive $0xFFFF  }
0x1c: {  	[spmem:s3] =	stream.indirect.scatter.add.f32 [tilespmem:s12], [sflag:$0x1], $0x10, s4, s13, $0xb8;
	[tilespmem:$0x6000] =	vst v63  }
0x1d: {  	_ = 	snop  }
0x1e: {  	[spmem:s3] =	stream.indirect.scatter.add.f32 [tilespmem:s12], [sflag:$0x2], $0x10, s13, s13, $0xb8;
	[tilespmem:$0x6000] =	vst v63  }
0x1f: {  	_ =	swait.ge [sflag:s14], $0x1000  }
0x20: {  	[sflag:s14] =	ssyncset.done $0x0  }
0x21: {  	s17 =	simm.s32 $0x200;
	[sflag:s14] =	ssyncadd.s32 $0xFFFFF000  }
0x22: {  	[spmem:s3] =	stream.indirect.scatter.add.f32 [tilespmem:s12], [sflag:$0x1], $0x10, s17, s13, $0xb8;
	[tilespmem:$0x6000] =	vst v63  }
0x23: {  	_ =	swait.ge [sflag:s15], $0x1000  }
0x24: {  	[sflag:s15] =	ssyncset.done $0x0  }
0x25: {  	s18 =	simm.s32 $0x300;
	s17 =	simm.s32 $0xFFFF7000;
	[sflag:s15] =	ssyncadd.s32 $0xFFFFF000  }
.LBB2_2:
0x26: {  	[spmem:s3] =	stream.indirect.scatter.add.f32 [tilespmem:s12], [sflag:$0x2], $0x10, s18, s13, $0xb8;
	[tilespmem:$0x6000] =	vst v63  }
0x27: {  	s18 =	smov.u32 s17  }
0x28: {  	p0 =	sne.s32 s17, $0xFFFFF800;
	s17 =	sadd.s32 $0x800, s17;
	_ =	swait.ge [sflag:s14], $0x1000  }
0x29: {  	s18 =	sshra.s32 s18, $0x2;
	[sflag:s14] =	ssyncset.done $0x0  }
.Ltmp0:
0x2a: {  	s19 =	sadd.s32 $0x2800, s18;
	[sflag:s14] =	ssyncadd.s32 $0xFFFFF000;
	(pc) =	sbr.rel @p0 .LBB2_2-.Ltmp0, $4  }
0x2b: {  	[spmem:s3] =	stream.indirect.scatter.add.f32 [tilespmem:s12], [sflag:$0x1], $0x10, s19, s13, $0xb8;
	[tilespmem:$0x6000] =	vst v63  }
0x2c: {  	_ =	swait.ge [sflag:s15], $0x1000  }
0x2d: {  	[sflag:s15] =	ssyncset.done $0x0  }
0x2e: {  	s18 =	sadd.s32 $0x2900, s18;
	[sflag:s15] =	ssyncadd.s32 $0xFFFFF000  }
0x2f: {  	[spmem:s3] =	stream.indirect.scatter.add.f32 [tilespmem:s12], [sflag:$0x2], $0x10, s18, s13, $0xb8;
	[tilespmem:$0x6000] =	vst v63  }
0x30: {  	_ =	swait.ge [sflag:s14], $0x1000  }
0x31: {  	[sflag:s14] =	ssyncset.done $0x0  }
0x32: {  	[sflag:s14] =	ssyncadd.s32 $0xFFFFF000  }
0x33: {  	_ =	swait.ge [sflag:s15], $0x1000  }
0x34: {  	s16 =	sadd.s32 $0x1, s16;
	[sflag:s15] =	ssyncset.done $0x0  }
0x35: {  	p0 =	sne.s32 s16, s9;
	[sflag:s15] =	ssyncadd.s32 $0xFFFFF000  }
.Ltmp1:
0x36: {  	[bflag:$0x0] =	sbarrier.arrive $0xFFFF;
	(pc) =	sbr.rel @p0 .LBB2_1-.Ltmp1, $4  }
0x37: {  	[hbm:s8], [sflag:s6] =	dma.local [spmem:s10], $0x500  }
0x38: {  	_ =	swait.ge [sflag:s11], $0x500  }
0x39: {  	[sflag:s11] =	ssyncset.done $0x0  }
0x3a: {  	[sflag:s11] =	ssyncadd.s32 $0xFFFFFB00  }
0x3b: {  	_ =	sfence.sel $0x180000  }
0x3c: {  	[bflag:$0x0] =	sbarrier.arrive $0xFFFF  }
0x3d: {  	p0 =	sne.s32 s0, $0x0;
	_ =	strace $0x90000047  }
0x3e: {  	s0 =	sadd.s32 @!p0 $0x100000, s1;
	[bflag:$0x2] =	sbarrier.arrive $0xFFFF  }
0x3f: {  	[sflag:s0] =	ssyncadd.tile.s32 @!p0 $0x1;
	_ =	shalt  }
.Lfunc_end2:
_tile_overlayer_lowered:
.L_overlay_start_2:
0x40: {  	(tag) =	ssettag $0x2  }
0x41: {  	s0 =	rddreg [dreg:$0x0];
	s2 =	stileid.u32  }
0x42: {  	s1 =	rddreg [dreg:$0x1];
	p0 =	sne.s32 s2, $0x0  }
0x43: {  	s3 =	rddreg [dreg:$0x2];
	[bflag:$0x3] =	sbarrier.arrive $0xFFFF;
	s2 =	simm.s32 @!p0 $0x1C03  }
0x44: {  	[timem:s3], [sflag:s2] =	dma.local @!p0 [hbm:s0], s1  }
0x45: {  	s0 =	simm.s32 @!p0 $0x3  }
0x46: {  	_ =	swait.ge @!p0 [sflag:s0], s1  }
0x47: {  	s1 =	ssub.s32 @!p0 $0x0, s1;
	[sflag:s0] =	ssyncset.done @!p0 $0x0  }
0x48: {  	[sflag:s0] =	ssyncadd.s32 @!p0 s1  }
0x49: {  	[bflag:$0x3] =	sbarrier.arrive $0xFFFF  }
0x4a: {  	_ =	shalt  }

// kernel: _impl.9.cloned.1.call-start
scs
__scs_entry_jumppad:
0x0: {  	(pc) =	sbr.rel $0x88, $3  }
0x1: {  	(tag) =	ssettag $0x0;
	lr =	simm.s32 $0x1  }
0x2: {  	[smem:$0x3F99] =	sst lr;
	_ =	strace $0xD0000000  }
0x3: {  	_ = 	snop  }
0x4: {  	_ = 	snop  }
0x5: {  	_ = 	snop  }
0x6: {  	_ = 	snop  }
0x7: {  	_ = 	snop  }
__scs_overlays_trampoline_lowered:
0x8: {  	[smem:$0x3FA8] =	sst s0  }
0x9: {  	[smem:$0x3FA9] =	sst s1  }
0xa: {  	[smem:$0x3FAA] =	sst s2  }
0xb: {  	[smem:$0x3FAB] =	sst s3  }
0xc: {  	[smem:$0x3FAC] =	sst s4  }
0xd: {  	[smem:$0x3FAD] =	sst s5  }
0xe: {  	[smem:$0x3FAE] =	sst s6  }
0xf: {  	[smem:$0x3FAF] =	sst s7  }
0x10: {  	[smem:$0x3FB0] =	sst s8  }
0x11: {  	[smem:$0x3FB1] =	sst s9;
	s0 =	simm.s32 @!p0 $0x0  }
0x12: {  	s1 =	sld [smem:$0x3F97];
	s0 =	simm.s32 @p0 $0x1  }
0x13: {  	[smem:$0x3FB2] =	sst s0;
	s0 =	simm.s32 @!p1 $0x0  }
0x14: {  	s2 =	sld [smem:$0x3F96];
	s0 =	simm.s32 @p1 $0x1  }
0x15: {  	[smem:$0x3FB3] =	sst s0;
	s0 =	simm.s32 @!p2 $0x0  }
0x16: {  	s3 =	sld [smem:$0x3FDB];
	s0 =	simm.s32 @p2 $0x1  }
0x17: {  	s4 =	simm.s32 $0x1BF5;
	[smem:$0x3FB5] =	sst s0  }
0x18: {  	s0 =	sld [smem:$0x3F98];
	_ =	swait.ge [sflag:s4], $0x0  }
0x19: {  	s7 =	sld [smem:$0x3F99]  }
0x1a: {  	s8 =	sadd.s32 $0xFFFFE003, lr  }
0x1b: {  	s9 =	sadd.s32 $0xFFFFFEF7, lr;
	s5 =	simm.s32 $0xFFFFFFFF;
	p2 =	slt.u32 s8, $0xFFFFF086  }
0x1c: {  	p1 =	slt.u32 s9, $0xF7A;
	s5 =	simm.s32 @!p2 $0x0  }
0x1d: {  	s5 =	simm.s32 @p1 $0x1;
	p0 =	seq.s32 s7, s2  }
0x1e: {  	s7 =	smul.u32 @!p0 $0xF7A, s2;
	p2 =	seq.s32 @!p0 s5, $0x0  }
0x1f: {  	s9 =	smul.u32 $0xF7A, s1;
	s8 =	simm.s32 @!p0 $0x1BF5;
	p2 =	por !p2, p0  }
0x20: {  	[sflag:s8] =	ssyncset.s32 @!p0 $0xFFFFF086;
	s6 =	sadd.s32 @!p0 s3, s7;
	s7 =	simm.s32 @!p0 $0x108  }
0x21: {  	s3 =	sadd.s32 s3, s9;
	s6 =	sadd.s32 @!p0 $0x88, s6;
	s7 =	simm.s32 @p2 $0x1082  }
0x22: {  	[simem:s7], [sflag:s8] =	dma.local @!p0 [hbm:s6], $0xF7A  }
0x23: {  	s9 =	sor.u32 $0xD0000000, s2;
	s6 =	simm.s32 $0x108;
	_ =	swait.ge @!p0 [sflag:s8], $0x0  }
0x24: {  	s3 =	sadd.s32 $0x88, s3;
	s6 =	simm.s32 @!p1 $0x1082;
	[sflag:s4] =	ssyncset.s32 $0xFFFFF086  }
0x25: {  	[simem:s6], [sflag:s4] =	dma.local [hbm:s3], $0xF7A  }
0x26: {  	[smem:$0x3F99] =	sst s1;
	(tag) =	ssettag s2;
	_ =	strace s9  }
0x27: {  	s1 =	sld [smem:$0x3FA9]  }
0x28: {  	s2 =	sld [smem:$0x3FAA]  }
0x29: {  	s4 =	sld [smem:$0x3FAC]  }
0x2a: {  	p0 =	seq.s32 s5, $0x0;
	s5 =	sld [smem:$0x3FAD]  }
0x2b: {  	s6 =	sld [smem:$0x3FAE]  }
0x2c: {  	s7 =	sld [smem:$0x3FAF]  }
0x2d: {  	s3 =	simm.s32 $0x108;
	s8 =	sld [smem:$0x3FB0]  }
0x2e: {  	s3 =	simm.s32 @!p0 $0x1082;
	s9 =	sld [smem:$0x3FB1]  }
0x2f: {  	lr =	sadd.s32 s0, s3;
	s0 =	sld [smem:$0x3FA8]  }
0x30: {  	s3 =	sld [smem:$0x3FAB]  }
0x31: {  	[smem:$0x3FB4] =	sst s10  }
0x32: {  	s10 =	sld [smem:$0x3FB2];
	_ =	sdelay $0x3  }
0x33: {  	p0 =	seq.s32 s10, $0x1;
	s10 =	sld [smem:$0x3FB4];
	_ =	sdelay $0x3  }
0x34: {  	[smem:$0x3FB4] =	sst s10  }
0x35: {  	s10 =	sld [smem:$0x3FB3];
	_ =	sdelay $0x3  }
0x36: {  	p1 =	seq.s32 s10, $0x1;
	s10 =	sld [smem:$0x3FB4];
	_ =	sdelay $0x3  }
0x37: {  	[smem:$0x3FB4] =	sst s10  }
0x38: {  	s10 =	sld [smem:$0x3FB5]  }
0x39: {  	_ = 	snop;
	(pc) =	sbr.ind lr, $3  }
0x3a: {  	_ = 	snop  }
0x3b: {  	_ = 	snop  }
0x3c: {  	p2 =	seq.s32 s10, $0x1;
	s10 =	sld [smem:$0x3FB4]  }
0x3d: {  	_ =	shalt  }
0x3e: {  	_ =	shalt  }
0x3f: {  	_ =	shalt  }
0x40: {  	_ =	shalt  }
0x41: {  	_ =	shalt  }
0x42: {  	_ =	shalt  }
0x43: {  	_ =	shalt  }
0x44: {  	_ =	shalt  }
0x45: {  	_ =	shalt  }
0x46: {  	_ =	shalt  }
0x47: {  	_ =	shalt  }
0x48: {  	_ =	shalt  }
0x49: {  	_ =	shalt  }
0x4a: {  	_ =	shalt  }
0x4b: {  	_ =	shalt  }
0x4c: {  	_ =	shalt  }
0x4d: {  	_ =	shalt  }
0x4e: {  	_ =	shalt  }
0x4f: {  	_ =	shalt  }
0x50: {  	_ =	shalt  }
0x51: {  	_ =	shalt  }
0x52: {  	_ =	shalt  }
0x53: {  	_ =	shalt  }
0x54: {  	_ =	shalt  }
0x55: {  	_ =	shalt  }
0x56: {  	_ =	shalt  }
0x57: {  	_ =	shalt  }
0x58: {  	_ =	shalt  }
0x59: {  	_ =	shalt  }
0x5a: {  	_ =	shalt  }
0x5b: {  	_ =	shalt  }
0x5c: {  	_ =	shalt  }
0x5d: {  	_ =	shalt  }
0x5e: {  	_ =	shalt  }
0x5f: {  	_ =	shalt  }
0x60: {  	_ =	shalt  }
0x61: {  	_ =	shalt  }
0x62: {  	_ =	shalt  }
0x63: {  	_ =	shalt  }
0x64: {  	_ =	shalt  }
0x65: {  	_ =	shalt  }
0x66: {  	_ =	shalt  }
0x67: {  	_ =	shalt  }
0x68: {  	_ =	shalt  }
0x69: {  	_ =	shalt  }
0x6a: {  	_ =	shalt  }
0x6b: {  	_ =	shalt  }
0x6c: {  	_ =	shalt  }
0x6d: {  	_ =	shalt  }
0x6e: {  	_ =	shalt  }
0x6f: {  	_ =	shalt  }
0x70: {  	_ =	shalt  }
0x71: {  	_ =	shalt  }
0x72: {  	_ =	shalt  }
0x73: {  	_ =	shalt  }
0x74: {  	_ =	shalt  }
0x75: {  	_ =	shalt  }
0x76: {  	_ =	shalt  }
0x77: {  	_ =	shalt  }
0x78: {  	_ =	shalt  }
0x79: {  	_ =	shalt  }
0x7a: {  	_ =	shalt  }
0x7b: {  	_ =	shalt  }
0x7c: {  	_ =	shalt  }
0x7d: {  	_ =	shalt  }
0x7e: {  	_ =	shalt  }
0x7f: {  	_ =	shalt  }
0x80: {  	_ =	shalt  }
0x81: {  	_ =	shalt  }
0x82: {  	_ =	shalt  }
0x83: {  	_ =	shalt  }
0x84: {  	_ =	shalt  }
0x85: {  	_ =	shalt  }
0x86: {  	_ =	shalt  }
0x87: {  	_ =	shalt  }
.Lfunc_end0:
.L_simem_size_0:
called_computation.1_lowered:
.L_overlay_start_0:
0x88: {  	s2 =	sld [smem:$0x3FD9]  }
0x89: {  	s3 =	sld [smem:$0x3FFE];
	_ =	sdelay $0x1  }
0x8a: {  	s1 =	srdreg.scid  }
0x8b: {  	s0 =	sand.u32 $0x1, s1  }
0x8c: {  	s16 =	sshll.u32 s0, $0xA;
	s2 =	sadd.s32 s3, s2  }
0x8d: {  	s2 =	sadd.s32 s2, s16  }
0x8e: {  	[smem:$0x3FC0] =	sst s2  }
0x8f: {  	_ = 	snop  }
0x90: {  	(tm) =	ssettm $0x1  }
0x91: {  	s17 =	sld [smem:$0x3FFB];
	_ =	sdelay $0x3  }
0x92: {  	_ =	strace s17  }
0x93: {  	s2 =	sld [smem:$0x3FFC];
	_ =	sdelay $0x3  }
0x94: {  	_ =	strace s2  }
0x95: {  	s2 =	sld [smem:$0x3FFD];
	_ =	sdelay $0x3  }
0x96: {  	_ =	strace s2  }
0x97: {  	_ =	strace $0x8FFFFFFF  }
0x98: {  	s18 =	sld [smem:$0x3FDB];
	_ =	sdelay $0x1  }
0x99: {  	s19 =	simm.s32 $_scs_section_size  }
0x9a: {  	s4 =	simm.s32 $_size__tile_overlayer_lowered;
	s5 =	simm.s32 $_tile_overlayer_lowered  }
0x9b: {  	s22 =	simm.s32 $0x1BFF;
	s21 =	sshll.u32 s5, $0x1;
	s2 =	sadd.s32 s19, s18  }
0x9c: {  	s6 =	simm.s32 $0x0;
	s20 =	sshll.u32 s4, $0x1;
	s4 =	sadd.s32 s21, s2  }
0x9d: {  	[timem:s6], [sflag:s22] =	dma.local [hbm:s4], s20  }
0x9e: {  	_ =	swait.ge [sflag:s22], s20  }
0x9f: {  	s3 =	ssub.s32 $0x0, s20;
	[sflag:s22] =	ssyncset.done $0x0  }
0xa0: {  	[sflag:s22] =	ssyncadd.s32 s3;
	_ =	sdelay $0x1  }
0xa1: {  	s23 =	simm.s32 $0x1B8B  }
0xa2: {  	_ =	swait.ge [sflag:s23], $0x1  }
0xa3: {  	[sflag:s23] =	ssyncset.done $0x0  }
0xa4: {  	s25 =	simm.s32 $0x1B8E;
	s24 =	sld [smem:$0x3FFE];
	[sflag:s23] =	ssyncadd.s32 $0xFFFFFFFF  }
0xa5: {  	s26 =	simm.s32 $execute0_lowered;
	[smem:$0x3FD2] =	sst s25  }
0xa6: {  	s4 =	sshll.u32 s26, $0x1;
	_ =	strace $0x80000049;
	[dreg:$0x1] =	wrdreg $0xFFFFFFFF  }
0xa7: {  	s28 =	simm.s32 $_size_execute0_lowered;
	s2 =	sadd.s32 s2, s4;
	[dreg:$0x0] =	wrdreg $0x0  }
0xa8: {  	s4 =	sshll.u32 s28, $0x1;
	[dreg:$0x2] =	wrdreg s2  }
0xa9: {  	[dreg:$0x3] =	wrdreg s4  }
0xaa: {  	[dreg:$0x4] =	wrdreg $0xC0  }
0xab: {  	_ =	task [dreg:s6], $0x5FFFF  }
0xac: {  	[dreg:$0x1] =	wrdreg $0xFFFFFFFF  }
0xad: {  	[dreg:$0x0] =	wrdreg $0x60  }
0xae: {  	[dreg:$0x2] =	wrdreg s24  }
0xaf: {  	[dreg:$0x3] =	wrdreg $0x150000  }
0xb0: {  	[dreg:$0x4] =	wrdreg $0x9  }
0xb1: {  	_ =	task.clear_ibuf [dreg:s6], $0x5FFFF;
	_ =	strace $0x90000049  }
0xb2: {  	s29 =	simm.s32 $0x9;
	_ =	strace $0x8000004B  }
0xb3: {  	_ =	swait.ge [sflag:s29], $0x1  }
0xb4: {  	[sflag:s29] =	ssyncadd.s32 $0xFFFFFFFF  }
0xb5: {  	_ =	strace $0x9000004B  }
0xb6: {  	_ =	sfence  }
0xb7: {  	s30 =	sld [smem:$0x0];
	_ =	sdelay $0x2  }
0xb8: {  	s31 =	sshll.u32 s1, $0xD;
	s1 =	sshrl.u32 s1, $0x2  }
0xb9: {  	s3 =	sand.u32 $0x4000, s31;
	s1 =	sadd.s32 s1, s30  }
0xba: {  	s0 =	sor.u32 s3, s0;
	s1 =	sshll.u32 s1, $0x11  }
0xbb: {  	s0 =	sor.u32 s1, s0  }
0xbc: {  	s0 =	sadd.s32 $0x8F2B, s0  }
0xbd: {  	[sflag:s0] =	ssyncadd.remote.s32 $0x1  }
0xbe: {  	_ =	sfence.sel $0xFFFF  }
0xbf: {  	[dreg:$0x0] =	wrdreg $0xFFFFFFFF;
	(pc) =	sbr.abs _section_cstart, $3  }
0xc0: {  	[dreg:$0x1] =	wrdreg $0xFFFFFFFF  }
0xc1: {  	_ =	task.clear_ibuf [dreg:s6], $0x2FFFF;
	_ =	strace $0x9FFFFFFF  }
0xc2: {  	(tm) =	ssettm $0x7FFFFFFF  }
0xc3: {  	_ =	shalt  }
tec
execute0_lowered:
.L_overlay_start_1:
0x0: {  	(tag) =	ssettag $0x1  }
0x1: {  	s0 =	srdreg.scid;
	s5 =	rddreg [dreg:$0x0]  }
0x2: {  	s10 =	stileid.u32;
	s2 =	rddreg [dreg:$0x1];
	s3 =	simm.s32 $0x0  }
0x3: {  	s12 =	simm.s32 $0x9;
	s13 =	simm.s32 $0x2800;
	s14 =	simm.s32 $0x100  }
0x4: {  	s15 =	simm.s32 $0x5000;
	s17 =	simm.s32 $0x9000;
	s19 =	simm.s32 $0xD000  }
0x5: {  	s21 =	simm.s32 $0x11000;
	s22 =	simm.s32 $0x1;
	s23 =	simm.s32 $0x2  }
0x6: {  	s24 =	simm.s32 $0x3;
	s25 =	simm.s32 $0x4;
	s28 =	simm.s32 $0x6  }
0x7: {  	s29 =	simm.s32 $0x7;
	s30 =	simm.s32 $0x8;
	s16 =	simm.s32 $0x2700  }
0x8: {  	s18 =	simm.s32 $0x0;
	s0 =	sand.u32 $0x1, s0;
	s6 =	smul.u32 $0xA000, s10  }
0x9: {  	[smem:$0x7FF] =	sst s3;
	s4 =	sadd.s32 $0x24E00, s5;
	s31 =	sshll.u32 s10, $0x6  }
0xa: {  	s1 =	sshll.u32 s0, $0x4;
	s7 =	smul.u32 $0xA0000, s0;
	_ =	strace $0x8000004A  }
0xb: {  	s0 =	ssub.s32 $0x2, s0;
	s1 =	sor.u32 s10, s1;
	s8 =	sshrl.u32 s6, $0x3  }
0xc: {  	s26 =	sshrl.u32 s0, $0x1;
	s11 =	sadd.s32 s6, s2;
	s1 =	smul.u32 $0x500, s1  }
0xd: {  	s7 =	sadd.s32 s6, s7;
	s8 =	sadd.s32 s8, s5;
	s0 =	ssub.s32 s0, s26  }
0xe: {  	s6 =	sor.u32 $0x1C09, s31;
	s11 =	sshrl.u32 s11, $0x3;
	s26 =	simm.s32 $0x5  }
0xf: {  	s7 =	sshrl.u32 s7, $0x3;
	s10 =	smax.u32 s0, $0x1;
	s0 =	simm.s32 $0x2600  }
0x10: {  	s1 =	sadd.s32 s1, s5;
	s9 =	sadd.s32 s7, s5;
	s5 =	sadd.s32 $0x38E00, s8  }
0x11: {  	s7 =	sadd.s32 $0x1AE00, s1;
	s8 =	sadd.s32 $0x1E00, s1;
	s9 =	sadd.s32 $0x4CE00, s9  }
.LBB2_1:
0x12: {  	[spmem:s11], [sflag:s6] =	dma.local [hbm:s5], $0x1400  }
0x13: {  	_ =	swait.ge [sflag:s12], $0x1400  }
0x14: {  	[sflag:s12] =	ssyncset.done $0x0  }
0x15: {  	[sflag:s12] =	ssyncadd.s32 $0xFFFFEC00  }
0x16: {  	[tilespmem:s3], [sflag:$0x9] =	stream.linear.gather [hbm4b:s7+s3], $0x2800, $0x38;
	[tilespmem:$0x1F000] =	vst v63  }
0x17: {  	_ =	swait.ge [sflag:s12], $0x2800  }
0x18: {  	[sflag:s12] =	ssyncset.done $0x0  }
0x19: {  	[sflag:s12] =	ssyncadd.s32 $0xFFFFD800  }
0x1a: {  	[tilespmem:s13], [sflag:$0x9] =	stream.linear.gather [hbm4b:s8+s3], $0x2800, $0x38;
	[tilespmem:$0x1F000] =	vst v63  }
0x1b: {  	_ =	swait.ge [sflag:s12], $0x2800  }
0x1c: {  	[sflag:s12] =	ssyncset.done $0x0  }
0x1d: {  	[sflag:s12] =	ssyncadd.s32 $0xFFFFD800  }
0x1e: {  	[bflag:$0x0] =	sbarrier.arrive $0xFFFF  }
0x1f: {  	[tilespmem:s15], [sflag:$0x1] =	stream.indirect.gather [hbm4b:s4+s14], $0x40, s13, s14, $0xb8;
	[tilespmem:$0x1F000] =	vst v63  }
0x20: {  	s1 =	simm.s32 $0x2900  }
0x21: {  	[tilespmem:s17], [sflag:$0x2] =	stream.indirect.gather [hbm4b:s4+s14], $0x40, s1, s14, $0xb8;
	[tilespmem:$0x1F000] =	vst v63  }
0x22: {  	s20 =	simm.s32 $0x2A00  }
0x23: {  	[tilespmem:s19], [sflag:$0x3] =	stream.indirect.gather [hbm4b:s4+s14], $0x40, s20, s14, $0xb8;
	[tilespmem:$0x1F000] =	vst v63  }
0x24: {  	s20 =	simm.s32 $0x2B00  }
0x25: {  	[tilespmem:s21], [sflag:$0x4] =	stream.indirect.gather [hbm4b:s4+s14], $0x40, s20, s14, $0xb8;
	[tilespmem:$0x1F000] =	vst v63  }
0x26: {  	_ =	swait.ge [sflag:s22], $0x4000  }
0x27: {  	[sflag:s22] =	ssyncset.done $0x0  }
0x28: {  	s20 =	simm.s32 $0x0;
	[sflag:s22] =	ssyncadd.s32 $0xFFFFC000  }
0x29: {  	[spmem:s2] =	stream.indirect.scatter.add.f32 [tilespmem:s15], [sflag:$0x5], $0x40, s20, s14, $0xb8;
	[tilespmem:$0x1F000] =	vst v63  }
0x2a: {  	_ =	swait.ge [sflag:s23], $0x4000  }
0x2b: {  	[sflag:s23] =	ssyncset.done $0x0  }
0x2c: {  	s1 =	simm.s32 $0x100;
	[sflag:s23] =	ssyncadd.s32 $0xFFFFC000  }
0x2d: {  	[spmem:s2] =	stream.indirect.scatter.add.f32 [tilespmem:s17], [sflag:$0x6], $0x40, s1, s14, $0xb8;
	[tilespmem:$0x1F000] =	vst v63  }
0x2e: {  	_ =	swait.ge [sflag:s24], $0x4000  }
0x2f: {  	[sflag:s24] =	ssyncset.done $0x0  }
0x30: {  	s1 =	simm.s32 $0x200;
	[sflag:s24] =	ssyncadd.s32 $0xFFFFC000  }
0x31: {  	[spmem:s2] =	stream.indirect.scatter.add.f32 [tilespmem:s19], [sflag:$0x7], $0x40, s1, s14, $0xb8;
	[tilespmem:$0x1F000] =	vst v63  }
0x32: {  	_ =	swait.ge [sflag:s25], $0x4000  }
0x33: {  	[sflag:s25] =	ssyncset.done $0x0  }
0x34: {  	s1 =	simm.s32 $0x300;
	[sflag:s25] =	ssyncadd.s32 $0xFFFFC000  }
0x35: {  	[spmem:s2] =	stream.indirect.scatter.add.f32 [tilespmem:s21], [sflag:$0x8], $0x40, s1, s14, $0xb8;
	[tilespmem:$0x1F000] =	vst v63  }
0x36: {  	_ =	swait.ge [sflag:s26], $0x4000  }
0x37: {  	[sflag:s26] =	ssyncset.done $0x0  }
0x38: {  	s1 =	simm.s32 $0x2C00;
	[sflag:s26] =	ssyncadd.s32 $0xFFFFC000  }
0x39: {  	[tilespmem:s15], [sflag:$0x1] =	stream.indirect.gather [hbm4b:s4+s14], $0x40, s1, s14, $0xb8;
	[tilespmem:$0x1F000] =	vst v63  }
0x3a: {  	_ =	swait.ge [sflag:s28], $0x4000  }
0x3b: {  	[sflag:s28] =	ssyncset.done $0x0  }
0x3c: {  	s1 =	simm.s32 $0x2D00;
	[sflag:s28] =	ssyncadd.s32 $0xFFFFC000  }
0x3d: {  	[tilespmem:s17], [sflag:$0x2] =	stream.indirect.gather [hbm4b:s4+s14], $0x40, s1, s14, $0xb8;
	[tilespmem:$0x1F000] =	vst v63  }
0x3e: {  	_ =	swait.ge [sflag:s29], $0x4000  }
0x3f: {  	[sflag:s29] =	ssyncset.done $0x0  }
0x40: {  	s1 =	simm.s32 $0x2E00;
	[sflag:s29] =	ssyncadd.s32 $0xFFFFC000  }
0x41: {  	[tilespmem:s19], [sflag:$0x3] =	stream.indirect.gather [hbm4b:s4+s14], $0x40, s1, s14, $0xb8;
	[tilespmem:$0x1F000] =	vst v63  }
0x42: {  	_ =	swait.ge [sflag:s30], $0x4000  }
0x43: {  	[sflag:s30] =	ssyncset.done $0x0  }
0x44: {  	s31 =	simm.s32 $0x2F00;
	s20 =	simm.s32 $0x1000;
	[sflag:s30] =	ssyncadd.s32 $0xFFFFC000  }
.LBB2_2:
0x45: {  	[tilespmem:s21], [sflag:$0x4] =	stream.indirect.gather [hbm4b:s4+s14], $0x40, s31, s14, $0xb8;
	[tilespmem:$0x1F000] =	vst v63  }
0x46: {  	s31 =	smov.u32 s20  }
0x47: {  	p0 =	sne.s32 s20, $0x8000;
	s20 =	sadd.s32 $0x1000, s20;
	_ =	swait.ge [sflag:s22], $0x4000  }
0x48: {  	[sflag:s22] =	ssyncset.done $0x0  }
0x49: {  	s31 =	sshra.s32 s31, $0x2;
	[sflag:s22] =	ssyncadd.s32 $0xFFFFC000  }
0x4a: {  	[spmem:s2] =	stream.indirect.scatter.add.f32 [tilespmem:s15], [sflag:$0x5], $0x40, s31, s14, $0xb8;
	[tilespmem:$0x1F000] =	vst v63  }
0x4b: {  	_ =	swait.ge [sflag:s23], $0x4000  }
0x4c: {  	[sflag:s23] =	ssyncset.done $0x0  }
0x4d: {  	s1 =	sadd.s32 $0x100, s31;
	[sflag:s23] =	ssyncadd.s32 $0xFFFFC000  }
0x4e: {  	[spmem:s2] =	stream.indirect.scatter.add.f32 [tilespmem:s17], [sflag:$0x6], $0x40, s1, s14, $0xb8;
	[tilespmem:$0x1F000] =	vst v63  }
0x4f: {  	_ =	swait.ge [sflag:s24], $0x4000  }
0x50: {  	[sflag:s24] =	ssyncset.done $0x0  }
0x51: {  	s1 =	sadd.s32 $0x200, s31;
	[sflag:s24] =	ssyncadd.s32 $0xFFFFC000  }
0x52: {  	[spmem:s2] =	stream.indirect.scatter.add.f32 [tilespmem:s19], [sflag:$0x7], $0x40, s1, s14, $0xb8;
	[tilespmem:$0x1F000] =	vst v63  }
0x53: {  	_ =	swait.ge [sflag:s25], $0x4000  }
0x54: {  	[sflag:s25] =	ssyncset.done $0x0  }
0x55: {  	s1 =	sadd.s32 $0x300, s31;
	[sflag:s25] =	ssyncadd.s32 $0xFFFFC000  }
0x56: {  	[spmem:s2] =	stream.indirect.scatter.add.f32 [tilespmem:s21], [sflag:$0x8], $0x40, s1, s14, $0xb8;
	[tilespmem:$0x1F000] =	vst v63  }
0x57: {  	_ =	swait.ge [sflag:s26], $0x4000  }
0x58: {  	[sflag:s26] =	ssyncset.done $0x0  }
0x59: {  	s1 =	sadd.s32 $0x2C00, s31;
	[sflag:s26] =	ssyncadd.s32 $0xFFFFC000  }
0x5a: {  	[tilespmem:s15], [sflag:$0x1] =	stream.indirect.gather [hbm4b:s4+s14], $0x40, s1, s14, $0xb8;
	[tilespmem:$0x1F000] =	vst v63  }
0x5b: {  	_ =	swait.ge [sflag:s28], $0x4000  }
0x5c: {  	[sflag:s28] =	ssyncset.done $0x0  }
0x5d: {  	s1 =	sadd.s32 $0x2D00, s31;
	[sflag:s28] =	ssyncadd.s32 $0xFFFFC000  }
0x5e: {  	[tilespmem:s17], [sflag:$0x2] =	stream.indirect.gather [hbm4b:s4+s14], $0x40, s1, s14, $0xb8;
	[tilespmem:$0x1F000] =	vst v63  }
0x5f: {  	_ =	swait.ge [sflag:s29], $0x4000  }
0x60: {  	[sflag:s29] =	ssyncset.done $0x0  }
.Ltmp0:
0x61: {  	s1 =	sadd.s32 $0x2E00, s31;
	[sflag:s29] =	ssyncadd.s32 $0xFFFFC000;
	(pc) =	sbr.rel @p0 .LBB2_2-.Ltmp0, $4  }
0x62: {  	[tilespmem:s19], [sflag:$0x3] =	stream.indirect.gather [hbm4b:s4+s14], $0x40, s1, s14, $0xb8;
	[tilespmem:$0x1F000] =	vst v63  }
0x63: {  	_ =	swait.ge [sflag:s30], $0x4000  }
0x64: {  	[sflag:s30] =	ssyncset.done $0x0  }
0x65: {  	s31 =	sadd.s32 $0x2F00, s31;
	[sflag:s30] =	ssyncadd.s32 $0xFFFFC000  }
0x66: {  	[tilespmem:s21], [sflag:$0x4] =	stream.indirect.gather [hbm4b:s4+s14], $0x40, s31, s14, $0xb8;
	[tilespmem:$0x1F000] =	vst v63  }
0x67: {  	_ =	swait.ge [sflag:s22], $0x4000  }
0x68: {  	[sflag:s22] =	ssyncset.done $0x0  }
0x69: {  	s1 =	simm.s32 $0x2400;
	[sflag:s22] =	ssyncadd.s32 $0xFFFFC000  }
0x6a: {  	[spmem:s2] =	stream.indirect.scatter.add.f32 [tilespmem:s15], [sflag:$0x5], $0x40, s1, s14, $0xb8;
	[tilespmem:$0x1F000] =	vst v63  }
0x6b: {  	_ =	swait.ge [sflag:s23], $0x4000  }
0x6c: {  	[sflag:s23] =	ssyncset.done $0x0  }
0x6d: {  	s31 =	simm.s32 $0x2500;
	[sflag:s23] =	ssyncadd.s32 $0xFFFFC000  }
0x6e: {  	[spmem:s2] =	stream.indirect.scatter.add.f32 [tilespmem:s17], [sflag:$0x6], $0x40, s31, s14, $0xb8;
	[tilespmem:$0x1F000] =	vst v63  }
0x6f: {  	_ =	swait.ge [sflag:s24], $0x4000  }
0x70: {  	[sflag:s24] =	ssyncset.done $0x0  }
0x71: {  	[sflag:s24] =	ssyncadd.s32 $0xFFFFC000  }
0x72: {  	[spmem:s2] =	stream.indirect.scatter.add.f32 [tilespmem:s19], [sflag:$0x7], $0x40, s0, s14, $0xb8;
	[tilespmem:$0x1F000] =	vst v63  }
0x73: {  	_ =	swait.ge [sflag:s25], $0x4000  }
0x74: {  	[sflag:s25] =	ssyncset.done $0x0  }
0x75: {  	[sflag:s25] =	ssyncadd.s32 $0xFFFFC000  }
0x76: {  	[spmem:s2] =	stream.indirect.scatter.add.f32 [tilespmem:s21], [sflag:$0x8], $0x40, s16, s14, $0xb8;
	[tilespmem:$0x1F000] =	vst v63  }
0x77: {  	_ =	swait.ge [sflag:s26], $0x4000  }
0x78: {  	[sflag:s26] =	ssyncset.done $0x0  }
0x79: {  	[sflag:s26] =	ssyncadd.s32 $0xFFFFC000  }
0x7a: {  	_ =	swait.ge [sflag:s28], $0x4000  }
0x7b: {  	[sflag:s28] =	ssyncset.done $0x0  }
0x7c: {  	[sflag:s28] =	ssyncadd.s32 $0xFFFFC000  }
0x7d: {  	_ =	swait.ge [sflag:s29], $0x4000  }
0x7e: {  	[sflag:s29] =	ssyncset.done $0x0  }
0x7f: {  	[sflag:s29] =	ssyncadd.s32 $0xFFFFC000  }
0x80: {  	_ =	swait.ge [sflag:s30], $0x4000  }
0x81: {  	s18 =	sadd.s32 $0x1, s18;
	[sflag:s30] =	ssyncset.done $0x0  }
0x82: {  	p0 =	sne.s32 s18, s10;
	[sflag:s30] =	ssyncadd.s32 $0xFFFFC000  }
.Ltmp1:
0x83: {  	[bflag:$0x0] =	sbarrier.arrive $0xFFFF;
	(pc) =	sbr.rel @p0 .LBB2_1-.Ltmp1, $4  }
0x84: {  	[hbm:s9], [sflag:s6] =	dma.local [spmem:s11], $0x1400  }
0x85: {  	_ =	swait.ge [sflag:s12], $0x1400  }
0x86: {  	[sflag:s12] =	ssyncset.done $0x0  }
0x87: {  	[sflag:s12] =	ssyncadd.s32 $0xFFFFEC00  }
0x88: {  	_ =	sfence.sel $0x180000  }
0x89: {  	[bflag:$0x0] =	sbarrier.arrive $0xFFFF  }
0x8a: {  	_ =	strace $0x9000004A  }
0x8b: {  	s0 =	stileid.u32;
	[bflag:$0x2] =	sbarrier.arrive $0xFFFF  }
0x8c: {  	p0 =	sne.s32 s0, $0x0;
	s0 =	rddreg [dreg:$0x2]  }
0x8d: {  	s0 =	sadd.s32 @!p0 $0x100000, s0  }
0x8e: {  	[sflag:s0] =	ssyncadd.tile.s32 @!p0 $0x1;
	_ =	shalt  }
.Lfunc_end2:
_tile_overlayer_lowered:
.L_overlay_start_2:
0x8f: {  	(tag) =	ssettag $0x2  }
0x90: {  	s0 =	rddreg [dreg:$0x0];
	s2 =	stileid.u32  }
0x91: {  	s1 =	rddreg [dreg:$0x1];
	p0 =	sne.s32 s2, $0x0  }
0x92: {  	s3 =	rddreg [dreg:$0x2];
	[bflag:$0x3] =	sbarrier.arrive $0xFFFF;
	s2 =	simm.s32 @!p0 $0x1C09  }
0x93: {  	[timem:s3], [sflag:s2] =	dma.local @!p0 [hbm:s0], s1  }
0x94: {  	s0 =	simm.s32 @!p0 $0x9  }
0x95: {  	_ =	swait.ge @!p0 [sflag:s0], s1  }
0x96: {  	s1 =	ssub.s32 @!p0 $0x0, s1;
	[sflag:s0] =	ssyncset.done @!p0 $0x0  }
0x97: {  	[sflag:s0] =	ssyncadd.s32 @!p0 s1  }
0x98: {  	[bflag:$0x3] =	sbarrier.arrive $0xFFFF  }
0x99: {  	_ =	shalt  }

</sc_bundles>
